<compile_context>
chip_gen: v7x
topology: tpu7x:2x2x1
jax: 0.10.2.dev20260603
libtpu: 0.0.44.dev20260713+nightly
codegen_flags: <defaults>
</compile_context>

<pallas_src>
import functools

import jax
import jax.numpy as jnp
from jax import lax
from jax.experimental import pallas as pl
from jax.experimental.pallas import tpu as pltpu
from jax.experimental.pallas import tpu_sc as plsc

N = 10000
D = 128
NCLS = 64
E = 320000

NC = 2
NS = 16
NW = NC * NS

CHUNK = 128
CH_A = 150
CH_B = 10
NCHT = NS * (CH_A + CH_B)
EPAD = NCHT * CHUNK
ACC_ROWS = 10240
SPARE = ACC_ROWS - N
ZROWS = ACC_ROWS // NS

_MESH = plsc.VectorSubcoreMesh(core_axis_name="c", subcore_axis_name="s")


@functools.partial(
    pl.kernel,
    out_type=jax.ShapeDtypeStruct((NC, ACC_ROWS, D), jnp.float32),
    mesh=_MESH,
    scratch_types=[
        pltpu.VMEM_SHARED((ACC_ROWS, D), jnp.float32),
        pltpu.VMEM((80, CHUNK), jnp.int32),
        pltpu.VMEM((CHUNK, D), jnp.float32),
        pltpu.SemaphoreType.DMA,
    ],
)
def _sc_degree(dst_hbm, zeros_hbm, ones_hbm, out_hbm, acc, dst_all, ones_v,
               ssem):
    c = lax.axis_index("c")
    s = lax.axis_index("s")
    w = c * NS + s
    pltpu.sync_copy(zeros_hbm, acc.at[pl.ds(s * ZROWS, ZROWS)])
    pltpu.sync_copy(ones_hbm, ones_v)
    pltpu.sync_copy(dst_hbm.at[pl.ds(w * 80, 80)], dst_all)
    plsc.subcore_barrier()

    def body(jj, carry):
        s0 = pltpu.async_copy(ones_v, acc.at[dst_all.at[2 * jj]], ssem,
                              add=True)
        s1 = pltpu.async_copy(ones_v, acc.at[dst_all.at[2 * jj + 1]], ssem,
                              add=True)
        s0.wait()
        s1.wait()
        return carry

    lax.fori_loop(0, 40, body, 0)
    plsc.subcore_barrier()
    pltpu.sync_copy(
        acc.at[pl.ds(s * ZROWS, ZROWS)],
        out_hbm.at[c, pl.ds(s * ZROWS, ZROWS)],
    )


@functools.partial(
    pl.kernel,
    out_type=jax.ShapeDtypeStruct((NC, ACC_ROWS, D), jnp.float32),
    mesh=_MESH,
    scratch_types=[
        pltpu.VMEM_SHARED((ACC_ROWS, D), jnp.float32),
        pltpu.VMEM((CHUNK,), jnp.int32),
        pltpu.VMEM((CHUNK,), jnp.int32),
        pltpu.VMEM((CHUNK,), jnp.int32),
        pltpu.VMEM((CHUNK,), jnp.int32),
        pltpu.VMEM((CHUNK, D), jnp.float32),
        pltpu.VMEM((CHUNK, D), jnp.float32),
        pltpu.SemaphoreType.DMA,
        pltpu.SemaphoreType.DMA,
        pltpu.SemaphoreType.DMA,
        pltpu.SemaphoreType.DMA,
        pltpu.SemaphoreType.DMA,
        pltpu.SemaphoreType.DMA,
    ],
)
def _sc_prop(hs_hbm, src_hbm, dst_hbm, zeros_hbm, out_hbm,
             acc, s0, s1, d0, d1, b0, b1, i0sem, i1sem, j0sem, j1sem,
             gsem, ssem):
    c = lax.axis_index("c")
    s = lax.axis_index("s")
    nch = jnp.where(c == 0, CH_A, CH_B)
    base = jnp.where(c == 0, s * CH_A, NS * CH_A + s * CH_B)
    pltpu.sync_copy(zeros_hbm, acc.at[pl.ds(s * ZROWS, ZROWS)])
    pltpu.async_copy(src_hbm.at[base], s0, i0sem)
    pltpu.async_copy(dst_hbm.at[base], d0, j0sem)
    plsc.subcore_barrier()

    last = base + nch - 1

    def body(jj, carry):
        j0 = base + 2 * jj
        j1 = j0 + 1
        jn = jnp.minimum(j0 + 2, last)
        pltpu.make_async_copy(src_hbm.at[j0], s0, i0sem).wait()
        pltpu.make_async_copy(dst_hbm.at[j0], d0, j0sem).wait()
        g0 = pltpu.async_copy(hs_hbm.at[s0], b0, gsem)
        i1 = pltpu.async_copy(src_hbm.at[j1], s1, i1sem)
        i1b = pltpu.async_copy(dst_hbm.at[j1], d1, j1sem)
        g0.wait()
        sc0 = pltpu.async_copy(b0, acc.at[d0], ssem, add=True)
        i1.wait()
        i1b.wait()
        g1 = pltpu.async_copy(hs_hbm.at[s1], b1, gsem)
        g1.wait()
        sc1 = pltpu.async_copy(b1, acc.at[d1], ssem, add=True)
        sc0.wait()
        pltpu.async_copy(src_hbm.at[jn], s0, i0sem)
        pltpu.async_copy(dst_hbm.at[jn], d0, j0sem)
        sc1.wait()
        return carry

    lax.fori_loop(0, nch // 2, body, 0)
    pltpu.make_async_copy(src_hbm.at[base], s0, i0sem).wait()
    pltpu.make_async_copy(dst_hbm.at[base], d0, j0sem).wait()

    plsc.subcore_barrier()
    pltpu.sync_copy(
        acc.at[pl.ds(s * ZROWS, ZROWS)],
        out_hbm.at[c, pl.ds(s * ZROWS, ZROWS)],
    )


_R = 1000


def _tc_mm1_body(x, w1, h):
    h[...] = jnp.dot(x[...], w1[...], preferred_element_type=jnp.float32)


def _tc_mm1(x, W1):
    return pl.pallas_call(
        _tc_mm1_body,
        grid=(N // _R,),
        in_specs=[
            pl.BlockSpec((_R, D), lambda i: (i, 0)),
            pl.BlockSpec((D, D), lambda i: (0, 0)),
        ],
        out_specs=pl.BlockSpec((_R, D), lambda i: (i, 0)),
        out_shape=jax.ShapeDtypeStruct((N, D), jnp.float32),
    )(x, W1)


def _tc_scale_body(deg0, deg1, h1, dis, hs):
    d = lax.rsqrt(deg0[0] + deg1[0] + 1.0)
    dis[...] = d
    hs[...] = d * h1[...]


def _tc_scale(deg, h1):
    return pl.pallas_call(
        _tc_scale_body,
        grid=(N // _R,),
        in_specs=[
            pl.BlockSpec((1, _R, 1), lambda i: (0, i, 0)),
            pl.BlockSpec((1, _R, 1), lambda i: (1, i, 0)),
            pl.BlockSpec((_R, D), lambda i: (i, 0)),
        ],
        out_specs=[
            pl.BlockSpec((_R, 1), lambda i: (i, 0)),
            pl.BlockSpec((_R, D), lambda i: (i, 0)),
        ],
        out_shape=[
            jax.ShapeDtypeStruct((N, 1), jnp.float32),
            jax.ShapeDtypeStruct((N, D), jnp.float32),
        ],
    )(deg, deg, h1)


def _tc_mid_body(acc0, acc1, h1, dis, b1, w2, h2, hs2):
    d = dis[...]
    u = d * (acc0[0] + acc1[0]) + (d * d) * h1[...] + b1[...]
    u = jnp.maximum(u, 0.0)
    hh = jnp.dot(u, w2[...], preferred_element_type=jnp.float32)
    h2[...] = hh
    hs2[...] = d * hh


def _tc_mid(acc, h1, dis, b1, W2):
    return pl.pallas_call(
        _tc_mid_body,
        grid=(N // _R,),
        in_specs=[
            pl.BlockSpec((1, _R, D), lambda i: (0, i, 0)),
            pl.BlockSpec((1, _R, D), lambda i: (1, i, 0)),
            pl.BlockSpec((_R, D), lambda i: (i, 0)),
            pl.BlockSpec((_R, 1), lambda i: (i, 0)),
            pl.BlockSpec((1, D), lambda i: (0, 0)),
            pl.BlockSpec((D, D), lambda i: (0, 0)),
        ],
        out_specs=[
            pl.BlockSpec((_R, D), lambda i: (i, 0)),
            pl.BlockSpec((_R, D), lambda i: (i, 0)),
        ],
        out_shape=[
            jax.ShapeDtypeStruct((N, D), jnp.float32),
            jax.ShapeDtypeStruct((N, D), jnp.float32),
        ],
    )(acc, acc, h1, dis, b1, W2)


def _tc_fin_body(acc0, acc1, h2, dis, b2, wfc, bfc, out):
    d = dis[...]
    u = d * (acc0[0] + acc1[0]) + (d * d) * h2[...] + b2[...]
    u = jnp.maximum(u, 0.0)
    logits = jnp.dot(u, wfc[...], preferred_element_type=jnp.float32)
    logits = logits + bfc[...]
    m = jnp.max(logits, axis=1, keepdims=True)
    e = jnp.exp(logits - m)
    out[...] = e / jnp.sum(e, axis=1, keepdims=True)


def _tc_fin(acc, h2, dis, b2, Wfc, bfc):
    return pl.pallas_call(
        _tc_fin_body,
        grid=(N // _R,),
        in_specs=[
            pl.BlockSpec((1, _R, D), lambda i: (0, i, 0)),
            pl.BlockSpec((1, _R, D), lambda i: (1, i, 0)),
            pl.BlockSpec((_R, D), lambda i: (i, 0)),
            pl.BlockSpec((_R, 1), lambda i: (i, 0)),
            pl.BlockSpec((1, D), lambda i: (0, 0)),
            pl.BlockSpec((D, NCLS), lambda i: (0, 0)),
            pl.BlockSpec((1, NCLS), lambda i: (0, 0)),
        ],
        out_specs=pl.BlockSpec((_R, NCLS), lambda i: (i, 0)),
        out_shape=jax.ShapeDtypeStruct((N, NCLS), jnp.float32),
    )(acc, acc, h2, dis, b2, Wfc, bfc)


def kernel(x, edge_index, W1, b1, W2, b2, Wfc, bfc):
    src = edge_index[0].astype(jnp.int32)
    dst = edge_index[1].astype(jnp.int32)
    pad = EPAD - E
    srcp = jnp.concatenate([src, jnp.zeros((pad,), jnp.int32)])
    pad_dst = N + jnp.arange(pad, dtype=jnp.int32) % SPARE
    dstp = jnp.concatenate([dst, pad_dst])
    srcg = srcp.reshape(NCHT, CHUNK)
    dstg = dstp.reshape(NCHT, CHUNK)

    zeros_d = jnp.zeros((ZROWS, D), jnp.float32)
    ones_d = jnp.ones((CHUNK, D), jnp.float32)

    h1 = _tc_mm1(x, W1)
    degw = _sc_degree(dstg, zeros_d, ones_d)
    deg = degw[:, :, 0:1]
    dis, hs1 = _tc_scale(deg, h1)
    acc1 = _sc_prop(hs1, srcg, dstg, zeros_d)
    h2, hs2 = _tc_mid(acc1, h1, dis, b1.reshape(1, D), W2)
    acc2 = _sc_prop(hs2, srcg, dstg, zeros_d)
    out = _tc_fin(acc2, h2, dis, b2.reshape(1, D), Wfc, bfc.reshape(1, NCLS))
    return out

# --- scband reference (transcript-rebuilt; emitter-appended) ---
"""Pipeline reference for scband-gcn-1382979469383 (READ-ONLY COPY).

The authoritative reference and input builder live on the scoring server;
editing this copy changes nothing except your own understanding.
"""

import jax, jax.numpy as jnp
import numpy as np

N_NODES = 10000
N_EDGES = 320000
D_IN = 128
D_H = 128
N_CLS = 64

def setup_inputs(seed: int = 0) -> dict:
    key = jax.random.key(seed)
    ks = jax.random.split(key, 8)
    x = jax.random.normal(ks[0], (N_NODES, D_IN), dtype=jnp.float32)
    edge_index = jax.random.randint(ks[1], (2, N_EDGES), 0, N_NODES, dtype=jnp.int64)
    W1 = jax.random.normal(ks[2], (D_IN, D_H), dtype=jnp.float32) * (1.0 / np.sqrt(D_IN))
    b1 = jnp.zeros((D_H,), dtype=jnp.float32)
    W2 = jax.random.normal(ks[3], (D_H, D_H), dtype=jnp.float32) * (1.0 / np.sqrt(D_H))
    b2 = jnp.zeros((D_H,), dtype=jnp.float32)
    Wfc = jax.random.normal(ks[4], (D_H, N_CLS), dtype=jnp.float32) * (1.0 / np.sqrt(D_H))
    bfc = jnp.zeros((N_CLS,), dtype=jnp.float32)
    return {"x": x, "edge_index": edge_index, "W1": W1, "b1": b1, "W2": W2, "b2": b2, "Wfc": Wfc, "bfc": bfc}

def _gcn_conv(x, src, dst, W, b, num_nodes):
    # x' = D^{-1/2} (A + I) D^{-1/2} X W + b  (PyG GCNConv with add_self_loops=True)
    h = x @ W
    deg = jnp.zeros((num_nodes,), dtype=h.dtype).at[dst].add(1.0)
    deg_inv_sqrt = jnp.where(deg > 0, jax.lax.rsqrt(jnp.maximum(deg, 1e-12)), 0.0)
    norm = deg_inv_sqrt[src] * deg_inv_sqrt[dst]
    msg = h[src] * norm[:, None]
    out = jnp.zeros((num_nodes, h.shape[1]), dtype=h.dtype).at[dst].add(msg)
    return out + b

def reference(x, edge_index, W1, b1, W2, b2, Wfc, bfc):
    num_nodes = x.shape[0]
    loop = jnp.arange(num_nodes, dtype=edge_index.dtype)
    src = jnp.concatenate([edge_index[0], loop])
    dst = jnp.concatenate([edge_index[1], loop])
    h = jax.nn.relu(_gcn_conv(x, src, dst, W1, b1, num_nodes))
    # dropout is identity in eval/inference mode
    h = jax.nn.relu(_gcn_conv(h, src, dst, W2, b2, num_nodes))
    out = jax.nn.softmax(h @ Wfc + bfc, axis=1)
    return out

if __name__ == "__main__":
    import jax
    _d = setup_inputs()
    print(jax.jit(kernel)(*tuple(_d.values())))

</pallas_src>

<mosaic_0001>
#map = affine_map<(d0, d1) -> (0, 0)>
#map1 = affine_map<(d0, d1) -> (0, 0, 0)>
module attributes {stable_mosaic.version = 14 : i64} {
  func.func @_sc_degree(%arg0: i32, %arg1: i32, %arg2: memref<2560x128xi32, #tpu.memory_space<hbm>>, %arg3: memref<640x128xf32, #tpu.memory_space<hbm>>, %arg4: memref<128x128xf32, #tpu.memory_space<hbm>>, %arg5: memref<2x10240x128xf32, #tpu.memory_space<hbm>>, %arg6: memref<10240x128xf32, #tpu.memory_space<vmem_shared>>, %arg7: memref<80x128xi32, #tpu.memory_space<vmem>>, %arg8: memref<128x128xf32, #tpu.memory_space<vmem>>, %arg9: memref<!tpu.dma_semaphore, #tpu.memory_space<semaphore_mem>>) attributes {dimension_semantics = [#tpu.dimension_semantics<core_parallel>, #tpu.dimension_semantics<subcore_parallel>], iteration_bounds = array<i64: 2, 16>, scalar_prefetch = 0 : i64, scratch_operands = 4 : i64, tpu.core_type = #tpu.core_type<sc_vector_subcore>, window_params = [{transform_indices = #map}, {transform_indices = #map}, {transform_indices = #map}, {transform_indices = #map1}]} {
    %mul3A = arith.constant 16 : i32
    %mul3A_0 = arith.muli %arg0, %mul3A : i32
    %add3A = arith.addi %mul3A_0, %arg1 : i32
    %mul3A_1 = arith.constant 640 : i32
    %mul3A_2 = arith.muli %arg1, %mul3A_1 : i32
    "tpu.region"() ({
      %run_scoped3A = tpu.sem_alloc : memref<!tpu.dma_semaphore, #tpu.memory_space<semaphore_mem>>
      %dma_start3A = arith.constant 0 : i32
      %dma_start3A_15 = tpu.memref_slice %arg6[%mul3A_2, %dma_start3A] : memref<10240x128xf32, #tpu.memory_space<vmem_shared>> -> memref<640x128xf32, #tpu.memory_space<vmem_shared>>
      tpu.enqueue_dma source(%arg3 : memref<640x128xf32, #tpu.memory_space<hbm>>) target(%dma_start3A_15 : memref<640x128xf32, #tpu.memory_space<vmem_shared>>) target_semaphore(%run_scoped3A : memref<!tpu.dma_semaphore, #tpu.memory_space<semaphore_mem>>)
      %dma_wait3A = arith.constant 0 : i32
      %dma_wait3A_16 = tpu.memref_slice %arg6[%mul3A_2, %dma_wait3A] : memref<10240x128xf32, #tpu.memory_space<vmem_shared>> -> memref<640x128xf32, #tpu.memory_space<vmem_shared>>
      tpu.wait_dma2 semaphore(%run_scoped3A : memref<!tpu.dma_semaphore, #tpu.memory_space<semaphore_mem>>) src(%arg3 : memref<640x128xf32, #tpu.memory_space<hbm>>) dst(%dma_wait3A_16 : memref<640x128xf32, #tpu.memory_space<vmem_shared>>)
      tpu.yield
    }) : () -> ()
    "tpu.region"() ({
      %run_scoped3A = tpu.sem_alloc : memref<!tpu.dma_semaphore, #tpu.memory_space<semaphore_mem>>
      tpu.enqueue_dma source(%arg4 : memref<128x128xf32, #tpu.memory_space<hbm>>) target(%arg8 : memref<128x128xf32, #tpu.memory_space<vmem>>) target_semaphore(%run_scoped3A : memref<!tpu.dma_semaphore, #tpu.memory_space<semaphore_mem>>)
      tpu.wait_dma2 semaphore(%run_scoped3A : memref<!tpu.dma_semaphore, #tpu.memory_space<semaphore_mem>>) src(%arg4 : memref<128x128xf32, #tpu.memory_space<hbm>>) dst(%arg8 : memref<128x128xf32, #tpu.memory_space<vmem>>)
      tpu.yield
    }) : () -> ()
    %mul3A_3 = arith.constant 80 : i32
    %mul3A_4 = arith.muli %add3A, %mul3A_3 : i32
    "tpu.region"() ({
      %run_scoped3A = tpu.sem_alloc : memref<!tpu.dma_semaphore, #tpu.memory_space<semaphore_mem>>
      %dma_start3A = arith.constant 0 : i32
      %dma_start3A_15 = tpu.memref_slice %arg2[%mul3A_4, %dma_start3A] : memref<2560x128xi32, #tpu.memory_space<hbm>> -> memref<80x128xi32, #tpu.memory_space<hbm>>
      %dma_start3A_16 = arith.constant 0 : i32
      %dma_start3A_17 = tpu.memref_slice %arg2[%mul3A_4, %dma_start3A_16] : memref<2560x128xi32, #tpu.memory_space<hbm>> -> memref<80x128xi32, #tpu.memory_space<hbm>>
      tpu.enqueue_dma source(%dma_start3A_17 : memref<80x128xi32, #tpu.memory_space<hbm>>) target(%arg7 : memref<80x128xi32, #tpu.memory_space<vmem>>) target_semaphore(%run_scoped3A : memref<!tpu.dma_semaphore, #tpu.memory_space<semaphore_mem>>)
      %dma_wait3A = arith.constant 0 : i32
      %dma_wait3A_18 = tpu.memref_slice %arg2[%mul3A_4, %dma_wait3A] : memref<2560x128xi32, #tpu.memory_space<hbm>> -> memref<80x128xi32, #tpu.memory_space<hbm>>
      %dma_wait3A_19 = arith.constant 0 : i32
      %dma_wait3A_20 = tpu.memref_slice %arg2[%mul3A_4, %dma_wait3A_19] : memref<2560x128xi32, #tpu.memory_space<hbm>> -> memref<80x128xi32, #tpu.memory_space<hbm>>
      tpu.wait_dma2 semaphore(%run_scoped3A : memref<!tpu.dma_semaphore, #tpu.memory_space<semaphore_mem>>) src(%dma_wait3A_20 : memref<80x128xi32, #tpu.memory_space<hbm>>) dst(%arg7 : memref<80x128xi32, #tpu.memory_space<vmem>>)
      tpu.yield
    }) : () -> ()
    %barrier3A = arith.constant 0 : index
    tpu.barrier barrier_id(%barrier3A)
    %scan3A = arith.constant 0 : i32
    %scan3A_5 = arith.constant 0 : i32
    %scan3A_6 = arith.constant 40 : i32
    %scan3A_7 = arith.addi %scan3A_5, %scan3A_6 : i32
    %scan3A_8 = arith.constant 1 : i32
    scf.for %scan3A_15 = %scan3A_5 to %scan3A_7 step %scan3A_8  : i32 {
      %mul3A_16 = arith.constant 2 : i32
      %mul3A_17 = arith.muli %mul3A_16, %scan3A_15 : i32
      %dma_start3A = arith.constant 0 : i32
      %dma_start3A_18 = tpu.memref_slice %arg7[%mul3A_17, %dma_start3A] : memref<80x128xi32, #tpu.memory_space<vmem>> -> memref<1x128xi32, #tpu.memory_space<vmem>>
      %dma_start3A_19 = tpu.memref_squeeze %dma_start3A_18 : memref<1x128xi32, #tpu.memory_space<vmem>> -> memref<128xi32, #tpu.memory_space<vmem>>
      %dma_start3A_20 = arith.constant 0 : i32
      %dma_start3A_21 = arith.constant 0 : i32
      %dma_start3A_22 = tpu.memref_slice %arg6[%dma_start3A_20, %dma_start3A_21] : memref<10240x128xf32, #tpu.memory_space<vmem_shared>> -> memref<10240x128xf32, #tpu.memory_space<vmem_shared>>
      tpu.enqueue_indirect_dma source(%arg8 : memref<128x128xf32, #tpu.memory_space<vmem>>) target(%dma_start3A_22 : memref<10240x128xf32, #tpu.memory_space<vmem_shared>>) offsets(%dma_start3A_19 : memref<128xi32, #tpu.memory_space<vmem>>) semaphore(%arg9 : memref<!tpu.dma_semaphore, #tpu.memory_space<semaphore_mem>>) {add = true}
      %mul3A_23 = arith.constant 2 : i32
      %mul3A_24 = arith.muli %mul3A_23, %scan3A_15 : i32
      %add3A_25 = arith.constant 1 : i32
      %add3A_26 = arith.addi %mul3A_24, %add3A_25 : i32
      %dma_start3A_27 = arith.constant 0 : i32
      %dma_start3A_28 = tpu.memref_slice %arg7[%add3A_26, %dma_start3A_27] : memref<80x128xi32, #tpu.memory_space<vmem>> -> memref<1x128xi32, #tpu.memory_space<vmem>>
      %dma_start3A_29 = tpu.memref_squeeze %dma_start3A_28 : memref<1x128xi32, #tpu.memory_space<vmem>> -> memref<128xi32, #tpu.memory_space<vmem>>
      %dma_start3A_30 = arith.constant 0 : i32
      %dma_start3A_31 = arith.constant 0 : i32
      %dma_start3A_32 = tpu.memref_slice %arg6[%dma_start3A_30, %dma_start3A_31] : memref<10240x128xf32, #tpu.memory_space<vmem_shared>> -> memref<10240x128xf32, #tpu.memory_space<vmem_shared>>
      tpu.enqueue_indirect_dma source(%arg8 : memref<128x128xf32, #tpu.memory_space<vmem>>) target(%dma_start3A_32 : memref<10240x128xf32, #tpu.memory_space<vmem_shared>>) offsets(%dma_start3A_29 : memref<128xi32, #tpu.memory_space<vmem>>) semaphore(%arg9 : memref<!tpu.dma_semaphore, #tpu.memory_space<semaphore_mem>>) {add = true}
      %dma_wait3A = arith.constant 0 : i32
      %dma_wait3A_33 = tpu.memref_slice %arg7[%mul3A_17, %dma_wait3A] : memref<80x128xi32, #tpu.memory_space<vmem>> -> memref<1x128xi32, #tpu.memory_space<vmem>>
      %dma_wait3A_34 = tpu.memref_squeeze %dma_wait3A_33 : memref<1x128xi32, #tpu.memory_space<vmem>> -> memref<128xi32, #tpu.memory_space<vmem>>
      %dma_wait3A_35 = arith.constant 0 : i32
      %dma_wait3A_36 = arith.constant 0 : i32
      %dma_wait3A_37 = tpu.memref_slice %arg6[%dma_wait3A_35, %dma_wait3A_36] : memref<10240x128xf32, #tpu.memory_space<vmem_shared>> -> memref<10240x128xf32, #tpu.memory_space<vmem_shared>>
      tpu.wait_indirect_dma semaphore(%arg9 : memref<!tpu.dma_semaphore, #tpu.memory_space<semaphore_mem>>) src(%arg8 : memref<128x128xf32, #tpu.memory_space<vmem>>) dst(%dma_wait3A_37 : memref<10240x128xf32, #tpu.memory_space<vmem_shared>>)
      %dma_wait3A_38 = arith.constant 0 : i32
      %dma_wait3A_39 = tpu.memref_slice %arg7[%add3A_26, %dma_wait3A_38] : memref<80x128xi32, #tpu.memory_space<vmem>> -> memref<1x128xi32, #tpu.memory_space<vmem>>
      %dma_wait3A_40 = tpu.memref_squeeze %dma_wait3A_39 : memref<1x128xi32, #tpu.memory_space<vmem>> -> memref<128xi32, #tpu.memory_space<vmem>>
      %dma_wait3A_41 = arith.constant 0 : i32
      %dma_wait3A_42 = arith.constant 0 : i32
      %dma_wait3A_43 = tpu.memref_slice %arg6[%dma_wait3A_41, %dma_wait3A_42] : memref<10240x128xf32, #tpu.memory_space<vmem_shared>> -> memref<10240x128xf32, #tpu.memory_space<vmem_shared>>
      tpu.wait_indirect_dma semaphore(%arg9 : memref<!tpu.dma_semaphore, #tpu.memory_space<semaphore_mem>>) src(%arg8 : memref<128x128xf32, #tpu.memory_space<vmem>>) dst(%dma_wait3A_43 : memref<10240x128xf32, #tpu.memory_space<vmem_shared>>)
    }
    %scan3A_9 = arith.constant 40 : i32
    %barrier3A_10 = arith.constant 0 : index
    tpu.barrier barrier_id(%barrier3A_10)
    %mul3A_11 = arith.constant 640 : i32
    %mul3A_12 = arith.muli %arg1, %mul3A_11 : i32
    %mul3A_13 = arith.constant 640 : i32
    %mul3A_14 = arith.muli %arg1, %mul3A_13 : i32
    "tpu.region"() ({
      %run_scoped3A = tpu.sem_alloc : memref<!tpu.dma_semaphore, #tpu.memory_space<semaphore_mem>>
      %dma_start3A = arith.constant 0 : i32
      %dma_start3A_15 = tpu.memref_slice %arg5[%arg0, %mul3A_14, %dma_start3A] : memref<2x10240x128xf32, #tpu.memory_space<hbm>> -> memref<1x640x128xf32, #tpu.memory_space<hbm>>
      %dma_start3A_16 = tpu.memref_squeeze %dma_start3A_15 : memref<1x640x128xf32, #tpu.memory_space<hbm>> -> memref<640x128xf32, #tpu.memory_space<hbm>>
      %dma_start3A_17 = arith.constant 0 : i32
      %dma_start3A_18 = tpu.memref_slice %arg6[%mul3A_12, %dma_start3A_17] : memref<10240x128xf32, #tpu.memory_space<vmem_shared>> -> memref<640x128xf32, #tpu.memory_space<vmem_shared>>
      tpu.enqueue_dma source(%dma_start3A_18 : memref<640x128xf32, #tpu.memory_space<vmem_shared>>) target(%dma_start3A_16 : memref<640x128xf32, #tpu.memory_space<hbm>>) target_semaphore(%run_scoped3A : memref<!tpu.dma_semaphore, #tpu.memory_space<semaphore_mem>>)
      %dma_wait3A = arith.constant 0 : i32
      %dma_wait3A_19 = tpu.memref_slice %arg5[%arg0, %mul3A_14, %dma_wait3A] : memref<2x10240x128xf32, #tpu.memory_space<hbm>> -> memref<1x640x128xf32, #tpu.memory_space<hbm>>
      %dma_wait3A_20 = tpu.memref_squeeze %dma_wait3A_19 : memref<1x640x128xf32, #tpu.memory_space<hbm>> -> memref<640x128xf32, #tpu.memory_space<hbm>>
      %dma_wait3A_21 = arith.constant 0 : i32
      %dma_wait3A_22 = tpu.memref_slice %arg6[%mul3A_12, %dma_wait3A_21] : memref<10240x128xf32, #tpu.memory_space<vmem_shared>> -> memref<640x128xf32, #tpu.memory_space<vmem_shared>>
      tpu.wait_dma2 semaphore(%run_scoped3A : memref<!tpu.dma_semaphore, #tpu.memory_space<semaphore_mem>>) src(%dma_wait3A_22 : memref<640x128xf32, #tpu.memory_space<vmem_shared>>) dst(%dma_wait3A_20 : memref<640x128xf32, #tpu.memory_space<hbm>>)
      tpu.yield
    }) : () -> ()
    return
  }
}

#map = affine_map<(d0, d1) -> (0, 0)>
#map1 = affine_map<(d0, d1) -> (0, 0, 0)>
module attributes {stable_mosaic.version = 14 : i64} {
  func.func @_sc_prop(%arg0: i32, %arg1: i32, %arg2: memref<10000x128xf32, #tpu.memory_space<hbm>>, %arg3: memref<2560x128xi32, #tpu.memory_space<hbm>>, %arg4: memref<2560x128xi32, #tpu.memory_space<hbm>>, %arg5: memref<640x128xf32, #tpu.memory_space<hbm>>, %arg6: memref<2x10240x128xf32, #tpu.memory_space<hbm>>, %arg7: memref<10240x128xf32, #tpu.memory_space<vmem_shared>>, %arg8: memref<128xi32, #tpu.memory_space<vmem>>, %arg9: memref<128xi32, #tpu.memory_space<vmem>>, %arg10: memref<128xi32, #tpu.memory_space<vmem>>, %arg11: memref<128xi32, #tpu.memory_space<vmem>>, %arg12: memref<128x128xf32, #tpu.memory_space<vmem>>, %arg13: memref<128x128xf32, #tpu.memory_space<vmem>>, %arg14: memref<!tpu.dma_semaphore, #tpu.memory_space<semaphore_mem>>, %arg15: memref<!tpu.dma_semaphore, #tpu.memory_space<semaphore_mem>>, %arg16: memref<!tpu.dma_semaphore, #tpu.memory_space<semaphore_mem>>, %arg17: memref<!tpu.dma_semaphore, #tpu.memory_space<semaphore_mem>>, %arg18: memref<!tpu.dma_semaphore, #tpu.memory_space<semaphore_mem>>, %arg19: memref<!tpu.dma_semaphore, #tpu.memory_space<semaphore_mem>>) attributes {dimension_semantics = [#tpu.dimension_semantics<core_parallel>, #tpu.dimension_semantics<subcore_parallel>], iteration_bounds = array<i64: 2, 16>, scalar_prefetch = 0 : i64, scratch_operands = 13 : i64, tpu.core_type = #tpu.core_type<sc_vector_subcore>, window_params = [{transform_indices = #map}, {transform_indices = #map}, {transform_indices = #map}, {transform_indices = #map}, {transform_indices = #map1}]} {
    %eq3A = arith.constant 0 : i32
    %eq3A_0 = arith.cmpi eq, %arg0, %eq3A : i32
    %jit3A = arith.constant 150 : i32
    %jit3A_1 = arith.constant 10 : i32
    %select_n3A = arith.select %eq3A_0, %jit3A, %jit3A_1 : i32
    %eq3A_2 = arith.constant 0 : i32
    %eq3A_3 = arith.cmpi eq, %arg0, %eq3A_2 : i32
    %mul3A = arith.constant 150 : i32
    %mul3A_4 = arith.muli %arg1, %mul3A : i32
    %mul3A_5 = arith.constant 10 : i32
    %mul3A_6 = arith.muli %arg1, %mul3A_5 : i32
    %add3A = arith.constant 2400 : i32
    %add3A_7 = arith.addi %add3A, %mul3A_6 : i32
    %select_n3A_8 = arith.select %eq3A_3, %mul3A_4, %add3A_7 : i32
    %mul3A_9 = arith.constant 640 : i32
    %mul3A_10 = arith.muli %arg1, %mul3A_9 : i32
    "tpu.region"() ({
      %run_scoped3A = tpu.sem_alloc : memref<!tpu.dma_semaphore, #tpu.memory_space<semaphore_mem>>
      %dma_start3A_68 = arith.constant 0 : i32
      %dma_start3A_69 = tpu.memref_slice %arg7[%mul3A_10, %dma_start3A_68] : memref<10240x128xf32, #tpu.memory_space<vmem_shared>> -> memref<640x128xf32, #tpu.memory_space<vmem_shared>>
      tpu.enqueue_dma source(%arg5 : memref<640x128xf32, #tpu.memory_space<hbm>>) target(%dma_start3A_69 : memref<640x128xf32, #tpu.memory_space<vmem_shared>>) target_semaphore(%run_scoped3A : memref<!tpu.dma_semaphore, #tpu.memory_space<semaphore_mem>>)
      %dma_wait3A_70 = arith.constant 0 : i32
      %dma_wait3A_71 = tpu.memref_slice %arg7[%mul3A_10, %dma_wait3A_70] : memref<10240x128xf32, #tpu.memory_space<vmem_shared>> -> memref<640x128xf32, #tpu.memory_space<vmem_shared>>
      tpu.wait_dma2 semaphore(%run_scoped3A : memref<!tpu.dma_semaphore, #tpu.memory_space<semaphore_mem>>) src(%arg5 : memref<640x128xf32, #tpu.memory_space<hbm>>) dst(%dma_wait3A_71 : memref<640x128xf32, #tpu.memory_space<vmem_shared>>)
      tpu.yield
    }) : () -> ()
    %dma_start3A = arith.constant 0 : i32
    %dma_start3A_11 = tpu.memref_slice %arg3[%select_n3A_8, %dma_start3A] : memref<2560x128xi32, #tpu.memory_space<hbm>> -> memref<1x128xi32, #tpu.memory_space<hbm>>
    %dma_start3A_12 = tpu.memref_squeeze %dma_start3A_11 : memref<1x128xi32, #tpu.memory_space<hbm>> -> memref<128xi32, #tpu.memory_space<hbm>>
    %dma_start3A_13 = arith.constant 0 : i32
    %dma_start3A_14 = tpu.memref_slice %arg3[%select_n3A_8, %dma_start3A_13] : memref<2560x128xi32, #tpu.memory_space<hbm>> -> memref<1x128xi32, #tpu.memory_space<hbm>>
    %dma_start3A_15 = tpu.memref_squeeze %dma_start3A_14 : memref<1x128xi32, #tpu.memory_space<hbm>> -> memref<128xi32, #tpu.memory_space<hbm>>
    tpu.enqueue_dma source(%dma_start3A_15 : memref<128xi32, #tpu.memory_space<hbm>>) target(%arg8 : memref<128xi32, #tpu.memory_space<vmem>>) target_semaphore(%arg14 : memref<!tpu.dma_semaphore, #tpu.memory_space<semaphore_mem>>)
    %dma_start3A_16 = arith.constant 0 : i32
    %dma_start3A_17 = tpu.memref_slice %arg4[%select_n3A_8, %dma_start3A_16] : memref<2560x128xi32, #tpu.memory_space<hbm>> -> memref<1x128xi32, #tpu.memory_space<hbm>>
    %dma_start3A_18 = tpu.memref_squeeze %dma_start3A_17 : memref<1x128xi32, #tpu.memory_space<hbm>> -> memref<128xi32, #tpu.memory_space<hbm>>
    %dma_start3A_19 = arith.constant 0 : i32
    %dma_start3A_20 = tpu.memref_slice %arg4[%select_n3A_8, %dma_start3A_19] : memref<2560x128xi32, #tpu.memory_space<hbm>> -> memref<1x128xi32, #tpu.memory_space<hbm>>
    %dma_start3A_21 = tpu.memref_squeeze %dma_start3A_20 : memref<1x128xi32, #tpu.memory_space<hbm>> -> memref<128xi32, #tpu.memory_space<hbm>>
    tpu.enqueue_dma source(%dma_start3A_21 : memref<128xi32, #tpu.memory_space<hbm>>) target(%arg10 : memref<128xi32, #tpu.memory_space<vmem>>) target_semaphore(%arg16 : memref<!tpu.dma_semaphore, #tpu.memory_space<semaphore_mem>>)
    %barrier3A = arith.constant 0 : index
    tpu.barrier barrier_id(%barrier3A)
    %add3A_22 = arith.addi %select_n3A_8, %select_n3A : i32
    %sub3A = arith.constant 1 : i32
    %sub3A_23 = arith.subi %add3A_22, %sub3A : i32
    %jit3A_24 = arith.constant 2 : i32
    %div3A = arith.divsi %select_n3A, %jit3A_24 : i32
    %sign3A = arith.constant 0 : i32
    %sign3A_25 = arith.cmpi sgt, %select_n3A, %sign3A : i32
    %sign3A_26 = arith.extui %sign3A_25 : i1 to i32
    %sign3A_27 = arith.constant 0 : i32
    %sign3A_28 = arith.cmpi slt, %select_n3A, %sign3A_27 : i32
    %sign3A_29 = arith.extui %sign3A_28 : i1 to i32
    %sign3A_30 = arith.subi %sign3A_26, %sign3A_29 : i32
    %sign3A_31 = arith.constant 0 : i32
    %sign3A_32 = arith.cmpi sgt, %jit3A_24, %sign3A_31 : i32
    %sign3A_33 = arith.extui %sign3A_32 : i1 to i32
    %sign3A_34 = arith.constant 0 : i32
    %sign3A_35 = arith.cmpi slt, %jit3A_24, %sign3A_34 : i32
    %sign3A_36 = arith.extui %sign3A_35 : i1 to i32
    %sign3A_37 = arith.subi %sign3A_33, %sign3A_36 : i32
    %ne3A = arith.cmpi ne, %sign3A_30, %sign3A_37 : i32
    %rem3A = arith.remsi %select_n3A, %jit3A_24 : i32
    %ne3A_38 = arith.constant 0 : i32
    %ne3A_39 = arith.cmpi ne, %rem3A, %ne3A_38 : i32
    %and3A = arith.andi %ne3A, %ne3A_39 : i1
    %sub3A_40 = arith.constant 1 : i32
    %sub3A_41 = arith.subi %div3A, %sub3A_40 : i32
    %select_n3A_42 = arith.select %and3A, %sub3A_41, %div3A : i32
    %while3A = arith.constant 0 : i32
    %while3A_43 = arith.constant 0 : i32
    %while3A_44 = arith.subi %select_n3A_42, %while3A_43 : i32
    %while3A_45 = arith.addi %while3A_43, %while3A_44 : i32
    %while3A_46 = arith.constant 1 : i32
    %while3A_47 = arith.divsi %while3A_44, %while3A_46 : i32
    %while3A_48 = arith.muli %while3A_47, %while3A_46 : i32
    %while3A_49 = arith.addi %while3A_43, %while3A_48 : i32
    %while3A_50 = arith.constant 1 : i32
    scf.for %while3A_68 = %while3A_43 to %while3A_49 step %while3A_50  : i32 {
      %mul3A_69 = arith.constant 2 : i32
      %mul3A_70 = arith.muli %mul3A_69, %while3A_68 : i32
      %add3A_71 = arith.addi %select_n3A_8, %mul3A_70 : i32
      %add3A_72 = arith.constant 1 : i32
      %add3A_73 = arith.addi %add3A_71, %add3A_72 : i32
      %add3A_74 = arith.constant 2 : i32
      %add3A_75 = arith.addi %add3A_71, %add3A_74 : i32
      %min3A = arith.minsi %add3A_75, %sub3A_23 : i32
      %dma_wait3A_76 = arith.constant 0 : i32
      %dma_wait3A_77 = tpu.memref_slice %arg3[%add3A_71, %dma_wait3A_76] : memref<2560x128xi32, #tpu.memory_space<hbm>> -> memref<1x128xi32, #tpu.memory_space<hbm>>
      %dma_wait3A_78 = tpu.memref_squeeze %dma_wait3A_77 : memref<1x128xi32, #tpu.memory_space<hbm>> -> memref<128xi32, #tpu.memory_space<hbm>>
      %dma_wait3A_79 = arith.constant 0 : i32
      %dma_wait3A_80 = tpu.memref_slice %arg3[%add3A_71, %dma_wait3A_79] : memref<2560x128xi32, #tpu.memory_space<hbm>> -> memref<1x128xi32, #tpu.memory_space<hbm>>
      %dma_wait3A_81 = tpu.memref_squeeze %dma_wait3A_80 : memref<1x128xi32, #tpu.memory_space<hbm>> -> memref<128xi32, #tpu.memory_space<hbm>>
      tpu.wait_dma2 semaphore(%arg14 : memref<!tpu.dma_semaphore, #tpu.memory_space<semaphore_mem>>) src(%dma_wait3A_81 : memref<128xi32, #tpu.memory_space<hbm>>) dst(%arg8 : memref<128xi32, #tpu.memory_space<vmem>>)
      %dma_wait3A_82 = arith.constant 0 : i32
      %dma_wait3A_83 = tpu.memref_slice %arg4[%add3A_71, %dma_wait3A_82] : memref<2560x128xi32, #tpu.memory_space<hbm>> -> memref<1x128xi32, #tpu.memory_space<hbm>>
      %dma_wait3A_84 = tpu.memref_squeeze %dma_wait3A_83 : memref<1x128xi32, #tpu.memory_space<hbm>> -> memref<128xi32, #tpu.memory_space<hbm>>
      %dma_wait3A_85 = arith.constant 0 : i32
      %dma_wait3A_86 = tpu.memref_slice %arg4[%add3A_71, %dma_wait3A_85] : memref<2560x128xi32, #tpu.memory_space<hbm>> -> memref<1x128xi32, #tpu.memory_space<hbm>>
      %dma_wait3A_87 = tpu.memref_squeeze %dma_wait3A_86 : memref<1x128xi32, #tpu.memory_space<hbm>> -> memref<128xi32, #tpu.memory_space<hbm>>
      tpu.wait_dma2 semaphore(%arg16 : memref<!tpu.dma_semaphore, #tpu.memory_space<semaphore_mem>>) src(%dma_wait3A_87 : memref<128xi32, #tpu.memory_space<hbm>>) dst(%arg10 : memref<128xi32, #tpu.memory_space<vmem>>)
      %dma_start3A_88 = arith.constant 0 : i32
      %dma_start3A_89 = arith.constant 0 : i32
      %dma_start3A_90 = tpu.memref_slice %arg2[%dma_start3A_88, %dma_start3A_89] : memref<10000x128xf32, #tpu.memory_space<hbm>> -> memref<10000x128xf32, #tpu.memory_space<hbm>>
      tpu.enqueue_indirect_dma source(%dma_start3A_90 : memref<10000x128xf32, #tpu.memory_space<hbm>>) target(%arg12 : memref<128x128xf32, #tpu.memory_space<vmem>>) offsets(%arg8 : memref<128xi32, #tpu.memory_space<vmem>>) semaphore(%arg18 : memref<!tpu.dma_semaphore, #tpu.memory_space<semaphore_mem>>)
      %dma_start3A_91 = arith.constant 0 : i32
      %dma_start3A_92 = tpu.memref_slice %arg3[%add3A_73, %dma_start3A_91] : memref<2560x128xi32, #tpu.memory_space<hbm>> -> memref<1x128xi32, #tpu.memory_space<hbm>>
      %dma_start3A_93 = tpu.memref_squeeze %dma_start3A_92 : memref<1x128xi32, #tpu.memory_space<hbm>> -> memref<128xi32, #tpu.memory_space<hbm>>
      %dma_start3A_94 = arith.constant 0 : i32
      %dma_start3A_95 = tpu.memref_slice %arg3[%add3A_73, %dma_start3A_94] : memref<2560x128xi32, #tpu.memory_space<hbm>> -> memref<1x128xi32, #tpu.memory_space<hbm>>
      %dma_start3A_96 = tpu.memref_squeeze %dma_start3A_95 : memref<1x128xi32, #tpu.memory_space<hbm>> -> memref<128xi32, #tpu.memory_space<hbm>>
      tpu.enqueue_dma source(%dma_start3A_96 : memref<128xi32, #tpu.memory_space<hbm>>) target(%arg9 : memref<128xi32, #tpu.memory_space<vmem>>) target_semaphore(%arg15 : memref<!tpu.dma_semaphore, #tpu.memory_space<semaphore_mem>>)
      %dma_start3A_97 = arith.constant 0 : i32
      %dma_start3A_98 = tpu.memref_slice %arg4[%add3A_73, %dma_start3A_97] : memref<2560x128xi32, #tpu.memory_space<hbm>> -> memref<1x128xi32, #tpu.memory_space<hbm>>
      %dma_start3A_99 = tpu.memref_squeeze %dma_start3A_98 : memref<1x128xi32, #tpu.memory_space<hbm>> -> memref<128xi32, #tpu.memory_space<hbm>>
      %dma_start3A_100 = arith.constant 0 : i32
      %dma_start3A_101 = tpu.memref_slice %arg4[%add3A_73, %dma_start3A_100] : memref<2560x128xi32, #tpu.memory_space<hbm>> -> memref<1x128xi32, #tpu.memory_space<hbm>>
      %dma_start3A_102 = tpu.memref_squeeze %dma_start3A_101 : memref<1x128xi32, #tpu.memory_space<hbm>> -> memref<128xi32, #tpu.memory_space<hbm>>
      tpu.enqueue_dma source(%dma_start3A_102 : memref<128xi32, #tpu.memory_space<hbm>>) target(%arg11 : memref<128xi32, #tpu.memory_space<vmem>>) target_semaphore(%arg17 : memref<!tpu.dma_semaphore, #tpu.memory_space<semaphore_mem>>)
      %dma_wait3A_103 = arith.constant 0 : i32
      %dma_wait3A_104 = arith.constant 0 : i32
      %dma_wait3A_105 = tpu.memref_slice %arg2[%dma_wait3A_103, %dma_wait3A_104] : memref<10000x128xf32, #tpu.memory_space<hbm>> -> memref<10000x128xf32, #tpu.memory_space<hbm>>
      tpu.wait_indirect_dma semaphore(%arg18 : memref<!tpu.dma_semaphore, #tpu.memory_space<semaphore_mem>>) src(%dma_wait3A_105 : memref<10000x128xf32, #tpu.memory_space<hbm>>) dst(%arg12 : memref<128x128xf32, #tpu.memory_space<vmem>>)
      %dma_start3A_106 = arith.constant 0 : i32
      %dma_start3A_107 = arith.constant 0 : i32
      %dma_start3A_108 = tpu.memref_slice %arg7[%dma_start3A_106, %dma_start3A_107] : memref<10240x128xf32, #tpu.memory_space<vmem_shared>> -> memref<10240x128xf32, #tpu.memory_space<vmem_shared>>
      tpu.enqueue_indirect_dma source(%arg12 : memref<128x128xf32, #tpu.memory_space<vmem>>) target(%dma_start3A_108 : memref<10240x128xf32, #tpu.memory_space<vmem_shared>>) offsets(%arg10 : memref<128xi32, #tpu.memory_space<vmem>>) semaphore(%arg19 : memref<!tpu.dma_semaphore, #tpu.memory_space<semaphore_mem>>) {add = true}
      %dma_wait3A_109 = arith.constant 0 : i32
      %dma_wait3A_110 = tpu.memref_slice %arg3[%add3A_73, %dma_wait3A_109] : memref<2560x128xi32, #tpu.memory_space<hbm>> -> memref<1x128xi32, #tpu.memory_space<hbm>>
      %dma_wait3A_111 = tpu.memref_squeeze %dma_wait3A_110 : memref<1x128xi32, #tpu.memory_space<hbm>> -> memref<128xi32, #tpu.memory_space<hbm>>
      %dma_wait3A_112 = arith.constant 0 : i32
      %dma_wait3A_113 = tpu.memref_slice %arg3[%add3A_73, %dma_wait3A_112] : memref<2560x128xi32, #tpu.memory_space<hbm>> -> memref<1x128xi32, #tpu.memory_space<hbm>>
      %dma_wait3A_114 = tpu.memref_squeeze %dma_wait3A_113 : memref<1x128xi32, #tpu.memory_space<hbm>> -> memref<128xi32, #tpu.memory_space<hbm>>
      tpu.wait_dma2 semaphore(%arg15 : memref<!tpu.dma_semaphore, #tpu.memory_space<semaphore_mem>>) src(%dma_wait3A_114 : memref<128xi32, #tpu.memory_space<hbm>>) dst(%arg9 : memref<128xi32, #tpu.memory_space<vmem>>)
      %dma_wait3A_115 = arith.constant 0 : i32
      %dma_wait3A_116 = tpu.memref_slice %arg4[%add3A_73, %dma_wait3A_115] : memref<2560x128xi32, #tpu.memory_space<hbm>> -> memref<1x128xi32, #tpu.memory_space<hbm>>
      %dma_wait3A_117 = tpu.memref_squeeze %dma_wait3A_116 : memref<1x128xi32, #tpu.memory_space<hbm>> -> memref<128xi32, #tpu.memory_space<hbm>>
      %dma_wait3A_118 = arith.constant 0 : i32
      %dma_wait3A_119 = tpu.memref_slice %arg4[%add3A_73, %dma_wait3A_118] : memref<2560x128xi32, #tpu.memory_space<hbm>> -> memref<1x128xi32, #tpu.memory_space<hbm>>
      %dma_wait3A_120 = tpu.memref_squeeze %dma_wait3A_119 : memref<1x128xi32, #tpu.memory_space<hbm>> -> memref<128xi32, #tpu.memory_space<hbm>>
      tpu.wait_dma2 semaphore(%arg17 : memref<!tpu.dma_semaphore, #tpu.memory_space<semaphore_mem>>) src(%dma_wait3A_120 : memref<128xi32, #tpu.memory_space<hbm>>) dst(%arg11 : memref<128xi32, #tpu.memory_space<vmem>>)
      %dma_start3A_121 = arith.constant 0 : i32
      %dma_start3A_122 = arith.constant 0 : i32
      %dma_start3A_123 = tpu.memref_slice %arg2[%dma_start3A_121, %dma_start3A_122] : memref<10000x128xf32, #tpu.memory_space<hbm>> -> memref<10000x128xf32, #tpu.memory_space<hbm>>
      tpu.enqueue_indirect_dma source(%dma_start3A_123 : memref<10000x128xf32, #tpu.memory_space<hbm>>) target(%arg13 : memref<128x128xf32, #tpu.memory_space<vmem>>) offsets(%arg9 : memref<128xi32, #tpu.memory_space<vmem>>) semaphore(%arg18 : memref<!tpu.dma_semaphore, #tpu.memory_space<semaphore_mem>>)
      %dma_wait3A_124 = arith.constant 0 : i32
      %dma_wait3A_125 = arith.constant 0 : i32
      %dma_wait3A_126 = tpu.memref_slice %arg2[%dma_wait3A_124, %dma_wait3A_125] : memref<10000x128xf32, #tpu.memory_space<hbm>> -> memref<10000x128xf32, #tpu.memory_space<hbm>>
      tpu.wait_indirect_dma semaphore(%arg18 : memref<!tpu.dma_semaphore, #tpu.memory_space<semaphore_mem>>) src(%dma_wait3A_126 : memref<10000x128xf32, #tpu.memory_space<hbm>>) dst(%arg13 : memref<128x128xf32, #tpu.memory_space<vmem>>)
      %dma_start3A_127 = arith.constant 0 : i32
      %dma_start3A_128 = arith.constant 0 : i32
      %dma_start3A_129 = tpu.memref_slice %arg7[%dma_start3A_127, %dma_start3A_128] : memref<10240x128xf32, #tpu.memory_space<vmem_shared>> -> memref<10240x128xf32, #tpu.memory_space<vmem_shared>>
      tpu.enqueue_indirect_dma source(%arg13 : memref<128x128xf32, #tpu.memory_space<vmem>>) target(%dma_start3A_129 : memref<10240x128xf32, #tpu.memory_space<vmem_shared>>) offsets(%arg11 : memref<128xi32, #tpu.memory_space<vmem>>) semaphore(%arg19 : memref<!tpu.dma_semaphore, #tpu.memory_space<semaphore_mem>>) {add = true}
      %dma_wait3A_130 = arith.constant 0 : i32
      %dma_wait3A_131 = arith.constant 0 : i32
      %dma_wait3A_132 = tpu.memref_slice %arg7[%dma_wait3A_130, %dma_wait3A_131] : memref<10240x128xf32, #tpu.memory_space<vmem_shared>> -> memref<10240x128xf32, #tpu.memory_space<vmem_shared>>
      tpu.wait_indirect_dma semaphore(%arg19 : memref<!tpu.dma_semaphore, #tpu.memory_space<semaphore_mem>>) src(%arg12 : memref<128x128xf32, #tpu.memory_space<vmem>>) dst(%dma_wait3A_132 : memref<10240x128xf32, #tpu.memory_space<vmem_shared>>)
      %dma_start3A_133 = arith.constant 0 : i32
      %dma_start3A_134 = tpu.memref_slice %arg3[%min3A, %dma_start3A_133] : memref<2560x128xi32, #tpu.memory_space<hbm>> -> memref<1x128xi32, #tpu.memory_space<hbm>>
      %dma_start3A_135 = tpu.memref_squeeze %dma_start3A_134 : memref<1x128xi32, #tpu.memory_space<hbm>> -> memref<128xi32, #tpu.memory_space<hbm>>
      %dma_start3A_136 = arith.constant 0 : i32
      %dma_start3A_137 = tpu.memref_slice %arg3[%min3A, %dma_start3A_136] : memref<2560x128xi32, #tpu.memory_space<hbm>> -> memref<1x128xi32, #tpu.memory_space<hbm>>
      %dma_start3A_138 = tpu.memref_squeeze %dma_start3A_137 : memref<1x128xi32, #tpu.memory_space<hbm>> -> memref<128xi32, #tpu.memory_space<hbm>>
      tpu.enqueue_dma source(%dma_start3A_138 : memref<128xi32, #tpu.memory_space<hbm>>) target(%arg8 : memref<128xi32, #tpu.memory_space<vmem>>) target_semaphore(%arg14 : memref<!tpu.dma_semaphore, #tpu.memory_space<semaphore_mem>>)
      %dma_start3A_139 = arith.constant 0 : i32
      %dma_start3A_140 = tpu.memref_slice %arg4[%min3A, %dma_start3A_139] : memref<2560x128xi32, #tpu.memory_space<hbm>> -> memref<1x128xi32, #tpu.memory_space<hbm>>
      %dma_start3A_141 = tpu.memref_squeeze %dma_start3A_140 : memref<1x128xi32, #tpu.memory_space<hbm>> -> memref<128xi32, #tpu.memory_space<hbm>>
      %dma_start3A_142 = arith.constant 0 : i32
      %dma_start3A_143 = tpu.memref_slice %arg4[%min3A, %dma_start3A_142] : memref<2560x128xi32, #tpu.memory_space<hbm>> -> memref<1x128xi32, #tpu.memory_space<hbm>>
      %dma_start3A_144 = tpu.memref_squeeze %dma_start3A_143 : memref<1x128xi32, #tpu.memory_space<hbm>> -> memref<128xi32, #tpu.memory_space<hbm>>
      tpu.enqueue_dma source(%dma_start3A_144 : memref<128xi32, #tpu.memory_space<hbm>>) target(%arg10 : memref<128xi32, #tpu.memory_space<vmem>>) target_semaphore(%arg16 : memref<!tpu.dma_semaphore, #tpu.memory_space<semaphore_mem>>)
      %dma_wait3A_145 = arith.constant 0 : i32
      %dma_wait3A_146 = arith.constant 0 : i32
      %dma_wait3A_147 = tpu.memref_slice %arg7[%dma_wait3A_145, %dma_wait3A_146] : memref<10240x128xf32, #tpu.memory_space<vmem_shared>> -> memref<10240x128xf32, #tpu.memory_space<vmem_shared>>
      tpu.wait_indirect_dma semaphore(%arg19 : memref<!tpu.dma_semaphore, #tpu.memory_space<semaphore_mem>>) src(%arg13 : memref<128x128xf32, #tpu.memory_space<vmem>>) dst(%dma_wait3A_147 : memref<10240x128xf32, #tpu.memory_space<vmem_shared>>)
    }
    %while3A_51 = arith.constant 1 : i32
    scf.for %while3A_68 = %while3A_49 to %while3A_45 step %while3A_51  : i32 {
      %mul3A_69 = arith.constant 2 : i32
      %mul3A_70 = arith.muli %mul3A_69, %while3A_68 : i32
      %add3A_71 = arith.addi %select_n3A_8, %mul3A_70 : i32
      %add3A_72 = arith.constant 1 : i32
      %add3A_73 = arith.addi %add3A_71, %add3A_72 : i32
      %add3A_74 = arith.constant 2 : i32
      %add3A_75 = arith.addi %add3A_71, %add3A_74 : i32
      %min3A = arith.minsi %add3A_75, %sub3A_23 : i32
      %dma_wait3A_76 = arith.constant 0 : i32
      %dma_wait3A_77 = tpu.memref_slice %arg3[%add3A_71, %dma_wait3A_76] : memref<2560x128xi32, #tpu.memory_space<hbm>> -> memref<1x128xi32, #tpu.memory_space<hbm>>
      %dma_wait3A_78 = tpu.memref_squeeze %dma_wait3A_77 : memref<1x128xi32, #tpu.memory_space<hbm>> -> memref<128xi32, #tpu.memory_space<hbm>>
      %dma_wait3A_79 = arith.constant 0 : i32
      %dma_wait3A_80 = tpu.memref_slice %arg3[%add3A_71, %dma_wait3A_79] : memref<2560x128xi32, #tpu.memory_space<hbm>> -> memref<1x128xi32, #tpu.memory_space<hbm>>
      %dma_wait3A_81 = tpu.memref_squeeze %dma_wait3A_80 : memref<1x128xi32, #tpu.memory_space<hbm>> -> memref<128xi32, #tpu.memory_space<hbm>>
      tpu.wait_dma2 semaphore(%arg14 : memref<!tpu.dma_semaphore, #tpu.memory_space<semaphore_mem>>) src(%dma_wait3A_81 : memref<128xi32, #tpu.memory_space<hbm>>) dst(%arg8 : memref<128xi32, #tpu.memory_space<vmem>>)
      %dma_wait3A_82 = arith.constant 0 : i32
      %dma_wait3A_83 = tpu.memref_slice %arg4[%add3A_71, %dma_wait3A_82] : memref<2560x128xi32, #tpu.memory_space<hbm>> -> memref<1x128xi32, #tpu.memory_space<hbm>>
      %dma_wait3A_84 = tpu.memref_squeeze %dma_wait3A_83 : memref<1x128xi32, #tpu.memory_space<hbm>> -> memref<128xi32, #tpu.memory_space<hbm>>
      %dma_wait3A_85 = arith.constant 0 : i32
      %dma_wait3A_86 = tpu.memref_slice %arg4[%add3A_71, %dma_wait3A_85] : memref<2560x128xi32, #tpu.memory_space<hbm>> -> memref<1x128xi32, #tpu.memory_space<hbm>>
      %dma_wait3A_87 = tpu.memref_squeeze %dma_wait3A_86 : memref<1x128xi32, #tpu.memory_space<hbm>> -> memref<128xi32, #tpu.memory_space<hbm>>
      tpu.wait_dma2 semaphore(%arg16 : memref<!tpu.dma_semaphore, #tpu.memory_space<semaphore_mem>>) src(%dma_wait3A_87 : memref<128xi32, #tpu.memory_space<hbm>>) dst(%arg10 : memref<128xi32, #tpu.memory_space<vmem>>)
      %dma_start3A_88 = arith.constant 0 : i32
      %dma_start3A_89 = arith.constant 0 : i32
      %dma_start3A_90 = tpu.memref_slice %arg2[%dma_start3A_88, %dma_start3A_89] : memref<10000x128xf32, #tpu.memory_space<hbm>> -> memref<10000x128xf32, #tpu.memory_space<hbm>>
      tpu.enqueue_indirect_dma source(%dma_start3A_90 : memref<10000x128xf32, #tpu.memory_space<hbm>>) target(%arg12 : memref<128x128xf32, #tpu.memory_space<vmem>>) offsets(%arg8 : memref<128xi32, #tpu.memory_space<vmem>>) semaphore(%arg18 : memref<!tpu.dma_semaphore, #tpu.memory_space<semaphore_mem>>)
      %dma_start3A_91 = arith.constant 0 : i32
      %dma_start3A_92 = tpu.memref_slice %arg3[%add3A_73, %dma_start3A_91] : memref<2560x128xi32, #tpu.memory_space<hbm>> -> memref<1x128xi32, #tpu.memory_space<hbm>>
      %dma_start3A_93 = tpu.memref_squeeze %dma_start3A_92 : memref<1x128xi32, #tpu.memory_space<hbm>> -> memref<128xi32, #tpu.memory_space<hbm>>
      %dma_start3A_94 = arith.constant 0 : i32
      %dma_start3A_95 = tpu.memref_slice %arg3[%add3A_73, %dma_start3A_94] : memref<2560x128xi32, #tpu.memory_space<hbm>> -> memref<1x128xi32, #tpu.memory_space<hbm>>
      %dma_start3A_96 = tpu.memref_squeeze %dma_start3A_95 : memref<1x128xi32, #tpu.memory_space<hbm>> -> memref<128xi32, #tpu.memory_space<hbm>>
      tpu.enqueue_dma source(%dma_start3A_96 : memref<128xi32, #tpu.memory_space<hbm>>) target(%arg9 : memref<128xi32, #tpu.memory_space<vmem>>) target_semaphore(%arg15 : memref<!tpu.dma_semaphore, #tpu.memory_space<semaphore_mem>>)
      %dma_start3A_97 = arith.constant 0 : i32
      %dma_start3A_98 = tpu.memref_slice %arg4[%add3A_73, %dma_start3A_97] : memref<2560x128xi32, #tpu.memory_space<hbm>> -> memref<1x128xi32, #tpu.memory_space<hbm>>
      %dma_start3A_99 = tpu.memref_squeeze %dma_start3A_98 : memref<1x128xi32, #tpu.memory_space<hbm>> -> memref<128xi32, #tpu.memory_space<hbm>>
      %dma_start3A_100 = arith.constant 0 : i32
      %dma_start3A_101 = tpu.memref_slice %arg4[%add3A_73, %dma_start3A_100] : memref<2560x128xi32, #tpu.memory_space<hbm>> -> memref<1x128xi32, #tpu.memory_space<hbm>>
      %dma_start3A_102 = tpu.memref_squeeze %dma_start3A_101 : memref<1x128xi32, #tpu.memory_space<hbm>> -> memref<128xi32, #tpu.memory_space<hbm>>
      tpu.enqueue_dma source(%dma_start3A_102 : memref<128xi32, #tpu.memory_space<hbm>>) target(%arg11 : memref<128xi32, #tpu.memory_space<vmem>>) target_semaphore(%arg17 : memref<!tpu.dma_semaphore, #tpu.memory_space<semaphore_mem>>)
      %dma_wait3A_103 = arith.constant 0 : i32
      %dma_wait3A_104 = arith.constant 0 : i32
      %dma_wait3A_105 = tpu.memref_slice %arg2[%dma_wait3A_103, %dma_wait3A_104] : memref<10000x128xf32, #tpu.memory_space<hbm>> -> memref<10000x128xf32, #tpu.memory_space<hbm>>
      tpu.wait_indirect_dma semaphore(%arg18 : memref<!tpu.dma_semaphore, #tpu.memory_space<semaphore_mem>>) src(%dma_wait3A_105 : memref<10000x128xf32, #tpu.memory_space<hbm>>) dst(%arg12 : memref<128x128xf32, #tpu.memory_space<vmem>>)
      %dma_start3A_106 = arith.constant 0 : i32
      %dma_start3A_107 = arith.constant 0 : i32
      %dma_start3A_108 = tpu.memref_slice %arg7[%dma_start3A_106, %dma_start3A_107] : memref<10240x128xf32, #tpu.memory_space<vmem_shared>> -> memref<10240x128xf32, #tpu.memory_space<vmem_shared>>
      tpu.enqueue_indirect_dma source(%arg12 : memref<128x128xf32, #tpu.memory_space<vmem>>) target(%dma_start3A_108 : memref<10240x128xf32, #tpu.memory_space<vmem_shared>>) offsets(%arg10 : memref<128xi32, #tpu.memory_space<vmem>>) semaphore(%arg19 : memref<!tpu.dma_semaphore, #tpu.memory_space<semaphore_mem>>) {add = true}
      %dma_wait3A_109 = arith.constant 0 : i32
      %dma_wait3A_110 = tpu.memref_slice %arg3[%add3A_73, %dma_wait3A_109] : memref<2560x128xi32, #tpu.memory_space<hbm>> -> memref<1x128xi32, #tpu.memory_space<hbm>>
      %dma_wait3A_111 = tpu.memref_squeeze %dma_wait3A_110 : memref<1x128xi32, #tpu.memory_space<hbm>> -> memref<128xi32, #tpu.memory_space<hbm>>
      %dma_wait3A_112 = arith.constant 0 : i32
      %dma_wait3A_113 = tpu.memref_slice %arg3[%add3A_73, %dma_wait3A_112] : memref<2560x128xi32, #tpu.memory_space<hbm>> -> memref<1x128xi32, #tpu.memory_space<hbm>>
      %dma_wait3A_114 = tpu.memref_squeeze %dma_wait3A_113 : memref<1x128xi32, #tpu.memory_space<hbm>> -> memref<128xi32, #tpu.memory_space<hbm>>
      tpu.wait_dma2 semaphore(%arg15 : memref<!tpu.dma_semaphore, #tpu.memory_space<semaphore_mem>>) src(%dma_wait3A_114 : memref<128xi32, #tpu.memory_space<hbm>>) dst(%arg9 : memref<128xi32, #tpu.memory_space<vmem>>)
      %dma_wait3A_115 = arith.constant 0 : i32
      %dma_wait3A_116 = tpu.memref_slice %arg4[%add3A_73, %dma_wait3A_115] : memref<2560x128xi32, #tpu.memory_space<hbm>> -> memref<1x128xi32, #tpu.memory_space<hbm>>
      %dma_wait3A_117 = tpu.memref_squeeze %dma_wait3A_116 : memref<1x128xi32, #tpu.memory_space<hbm>> -> memref<128xi32, #tpu.memory_space<hbm>>
      %dma_wait3A_118 = arith.constant 0 : i32
      %dma_wait3A_119 = tpu.memref_slice %arg4[%add3A_73, %dma_wait3A_118] : memref<2560x128xi32, #tpu.memory_space<hbm>> -> memref<1x128xi32, #tpu.memory_space<hbm>>
      %dma_wait3A_120 = tpu.memref_squeeze %dma_wait3A_119 : memref<1x128xi32, #tpu.memory_space<hbm>> -> memref<128xi32, #tpu.memory_space<hbm>>
      tpu.wait_dma2 semaphore(%arg17 : memref<!tpu.dma_semaphore, #tpu.memory_space<semaphore_mem>>) src(%dma_wait3A_120 : memref<128xi32, #tpu.memory_space<hbm>>) dst(%arg11 : memref<128xi32, #tpu.memory_space<vmem>>)
      %dma_start3A_121 = arith.constant 0 : i32
      %dma_start3A_122 = arith.constant 0 : i32
      %dma_start3A_123 = tpu.memref_slice %arg2[%dma_start3A_121, %dma_start3A_122] : memref<10000x128xf32, #tpu.memory_space<hbm>> -> memref<10000x128xf32, #tpu.memory_space<hbm>>
      tpu.enqueue_indirect_dma source(%dma_start3A_123 : memref<10000x128xf32, #tpu.memory_space<hbm>>) target(%arg13 : memref<128x128xf32, #tpu.memory_space<vmem>>) offsets(%arg9 : memref<128xi32, #tpu.memory_space<vmem>>) semaphore(%arg18 : memref<!tpu.dma_semaphore, #tpu.memory_space<semaphore_mem>>)
      %dma_wait3A_124 = arith.constant 0 : i32
      %dma_wait3A_125 = arith.constant 0 : i32
      %dma_wait3A_126 = tpu.memref_slice %arg2[%dma_wait3A_124, %dma_wait3A_125] : memref<10000x128xf32, #tpu.memory_space<hbm>> -> memref<10000x128xf32, #tpu.memory_space<hbm>>
      tpu.wait_indirect_dma semaphore(%arg18 : memref<!tpu.dma_semaphore, #tpu.memory_space<semaphore_mem>>) src(%dma_wait3A_126 : memref<10000x128xf32, #tpu.memory_space<hbm>>) dst(%arg13 : memref<128x128xf32, #tpu.memory_space<vmem>>)
      %dma_start3A_127 = arith.constant 0 : i32
      %dma_start3A_128 = arith.constant 0 : i32
      %dma_start3A_129 = tpu.memref_slice %arg7[%dma_start3A_127, %dma_start3A_128] : memref<10240x128xf32, #tpu.memory_space<vmem_shared>> -> memref<10240x128xf32, #tpu.memory_space<vmem_shared>>
      tpu.enqueue_indirect_dma source(%arg13 : memref<128x128xf32, #tpu.memory_space<vmem>>) target(%dma_start3A_129 : memref<10240x128xf32, #tpu.memory_space<vmem_shared>>) offsets(%arg11 : memref<128xi32, #tpu.memory_space<vmem>>) semaphore(%arg19 : memref<!tpu.dma_semaphore, #tpu.memory_space<semaphore_mem>>) {add = true}
      %dma_wait3A_130 = arith.constant 0 : i32
      %dma_wait3A_131 = arith.constant 0 : i32
      %dma_wait3A_132 = tpu.memref_slice %arg7[%dma_wait3A_130, %dma_wait3A_131] : memref<10240x128xf32, #tpu.memory_space<vmem_shared>> -> memref<10240x128xf32, #tpu.memory_space<vmem_shared>>
      tpu.wait_indirect_dma semaphore(%arg19 : memref<!tpu.dma_semaphore, #tpu.memory_space<semaphore_mem>>) src(%arg12 : memref<128x128xf32, #tpu.memory_space<vmem>>) dst(%dma_wait3A_132 : memref<10240x128xf32, #tpu.memory_space<vmem_shared>>)
      %dma_start3A_133 = arith.constant 0 : i32
      %dma_start3A_134 = tpu.memref_slice %arg3[%min3A, %dma_start3A_133] : memref<2560x128xi32, #tpu.memory_space<hbm>> -> memref<1x128xi32, #tpu.memory_space<hbm>>
      %dma_start3A_135 = tpu.memref_squeeze %dma_start3A_134 : memref<1x128xi32, #tpu.memory_space<hbm>> -> memref<128xi32, #tpu.memory_space<hbm>>
      %dma_start3A_136 = arith.constant 0 : i32
      %dma_start3A_137 = tpu.memref_slice %arg3[%min3A, %dma_start3A_136] : memref<2560x128xi32, #tpu.memory_space<hbm>> -> memref<1x128xi32, #tpu.memory_space<hbm>>
      %dma_start3A_138 = tpu.memref_squeeze %dma_start3A_137 : memref<1x128xi32, #tpu.memory_space<hbm>> -> memref<128xi32, #tpu.memory_space<hbm>>
      tpu.enqueue_dma source(%dma_start3A_138 : memref<128xi32, #tpu.memory_space<hbm>>) target(%arg8 : memref<128xi32, #tpu.memory_space<vmem>>) target_semaphore(%arg14 : memref<!tpu.dma_semaphore, #tpu.memory_space<semaphore_mem>>)
      %dma_start3A_139 = arith.constant 0 : i32
      %dma_start3A_140 = tpu.memref_slice %arg4[%min3A, %dma_start3A_139] : memref<2560x128xi32, #tpu.memory_space<hbm>> -> memref<1x128xi32, #tpu.memory_space<hbm>>
      %dma_start3A_141 = tpu.memref_squeeze %dma_start3A_140 : memref<1x128xi32, #tpu.memory_space<hbm>> -> memref<128xi32, #tpu.memory_space<hbm>>
      %dma_start3A_142 = arith.constant 0 : i32
      %dma_start3A_143 = tpu.memref_slice %arg4[%min3A, %dma_start3A_142] : memref<2560x128xi32, #tpu.memory_space<hbm>> -> memref<1x128xi32, #tpu.memory_space<hbm>>
      %dma_start3A_144 = tpu.memref_squeeze %dma_start3A_143 : memref<1x128xi32, #tpu.memory_space<hbm>> -> memref<128xi32, #tpu.memory_space<hbm>>
      tpu.enqueue_dma source(%dma_start3A_144 : memref<128xi32, #tpu.memory_space<hbm>>) target(%arg10 : memref<128xi32, #tpu.memory_space<vmem>>) target_semaphore(%arg16 : memref<!tpu.dma_semaphore, #tpu.memory_space<semaphore_mem>>)
      %dma_wait3A_145 = arith.constant 0 : i32
      %dma_wait3A_146 = arith.constant 0 : i32
      %dma_wait3A_147 = tpu.memref_slice %arg7[%dma_wait3A_145, %dma_wait3A_146] : memref<10240x128xf32, #tpu.memory_space<vmem_shared>> -> memref<10240x128xf32, #tpu.memory_space<vmem_shared>>
      tpu.wait_indirect_dma semaphore(%arg19 : memref<!tpu.dma_semaphore, #tpu.memory_space<semaphore_mem>>) src(%arg13 : memref<128x128xf32, #tpu.memory_space<vmem>>) dst(%dma_wait3A_147 : memref<10240x128xf32, #tpu.memory_space<vmem_shared>>)
    }
    %dma_wait3A = arith.constant 0 : i32
    %dma_wait3A_52 = tpu.memref_slice %arg3[%select_n3A_8, %dma_wait3A] : memref<2560x128xi32, #tpu.memory_space<hbm>> -> memref<1x128xi32, #tpu.memory_space<hbm>>
    %dma_wait3A_53 = tpu.memref_squeeze %dma_wait3A_52 : memref<1x128xi32, #tpu.memory_space<hbm>> -> memref<128xi32, #tpu.memory_space<hbm>>
    %dma_wait3A_54 = arith.constant 0 : i32
    %dma_wait3A_55 = tpu.memref_slice %arg3[%select_n3A_8, %dma_wait3A_54] : memref<2560x128xi32, #tpu.memory_space<hbm>> -> memref<1x128xi32, #tpu.memory_space<hbm>>
    %dma_wait3A_56 = tpu.memref_squeeze %dma_wait3A_55 : memref<1x128xi32, #tpu.memory_space<hbm>> -> memref<128xi32, #tpu.memory_space<hbm>>
    tpu.wait_dma2 semaphore(%arg14 : memref<!tpu.dma_semaphore, #tpu.memory_space<semaphore_mem>>) src(%dma_wait3A_56 : memref<128xi32, #tpu.memory_space<hbm>>) dst(%arg8 : memref<128xi32, #tpu.memory_space<vmem>>)
    %dma_wait3A_57 = arith.constant 0 : i32
    %dma_wait3A_58 = tpu.memref_slice %arg4[%select_n3A_8, %dma_wait3A_57] : memref<2560x128xi32, #tpu.memory_space<hbm>> -> memref<1x128xi32, #tpu.memory_space<hbm>>
    %dma_wait3A_59 = tpu.memref_squeeze %dma_wait3A_58 : memref<1x128xi32, #tpu.memory_space<hbm>> -> memref<128xi32, #tpu.memory_space<hbm>>
    %dma_wait3A_60 = arith.constant 0 : i32
    %dma_wait3A_61 = tpu.memref_slice %arg4[%select_n3A_8, %dma_wait3A_60] : memref<2560x128xi32, #tpu.memory_space<hbm>> -> memref<1x128xi32, #tpu.memory_space<hbm>>
    %dma_wait3A_62 = tpu.memref_squeeze %dma_wait3A_61 : memref<1x128xi32, #tpu.memory_space<hbm>> -> memref<128xi32, #tpu.memory_space<hbm>>
    tpu.wait_dma2 semaphore(%arg16 : memref<!tpu.dma_semaphore, #tpu.memory_space<semaphore_mem>>) src(%dma_wait3A_62 : memref<128xi32, #tpu.memory_space<hbm>>) dst(%arg10 : memref<128xi32, #tpu.memory_space<vmem>>)
    %barrier3A_63 = arith.constant 0 : index
    tpu.barrier barrier_id(%barrier3A_63)
    %mul3A_64 = arith.constant 640 : i32
    %mul3A_65 = arith.muli %arg1, %mul3A_64 : i32
    %mul3A_66 = arith.constant 640 : i32
    %mul3A_67 = arith.muli %arg1, %mul3A_66 : i32
    "tpu.region"() ({
      %run_scoped3A = tpu.sem_alloc : memref<!tpu.dma_semaphore, #tpu.memory_space<semaphore_mem>>
      %dma_start3A_68 = arith.constant 0 : i32
      %dma_start3A_69 = tpu.memref_slice %arg6[%arg0, %mul3A_67, %dma_start3A_68] : memref<2x10240x128xf32, #tpu.memory_space<hbm>> -> memref<1x640x128xf32, #tpu.memory_space<hbm>>
      %dma_start3A_70 = tpu.memref_squeeze %dma_start3A_69 : memref<1x640x128xf32, #tpu.memory_space<hbm>> -> memref<640x128xf32, #tpu.memory_space<hbm>>
      %dma_start3A_71 = arith.constant 0 : i32
      %dma_start3A_72 = tpu.memref_slice %arg7[%mul3A_65, %dma_start3A_71] : memref<10240x128xf32, #tpu.memory_space<vmem_shared>> -> memref<640x128xf32, #tpu.memory_space<vmem_shared>>
      tpu.enqueue_dma source(%dma_start3A_72 : memref<640x128xf32, #tpu.memory_space<vmem_shared>>) target(%dma_start3A_70 : memref<640x128xf32, #tpu.memory_space<hbm>>) target_semaphore(%run_scoped3A : memref<!tpu.dma_semaphore, #tpu.memory_space<semaphore_mem>>)
      %dma_wait3A_73 = arith.constant 0 : i32
      %dma_wait3A_74 = tpu.memref_slice %arg6[%arg0, %mul3A_67, %dma_wait3A_73] : memref<2x10240x128xf32, #tpu.memory_space<hbm>> -> memref<1x640x128xf32, #tpu.memory_space<hbm>>
      %dma_wait3A_75 = tpu.memref_squeeze %dma_wait3A_74 : memref<1x640x128xf32, #tpu.memory_space<hbm>> -> memref<640x128xf32, #tpu.memory_space<hbm>>
      %dma_wait3A_76 = arith.constant 0 : i32
      %dma_wait3A_77 = tpu.memref_slice %arg7[%mul3A_65, %dma_wait3A_76] : memref<10240x128xf32, #tpu.memory_space<vmem_shared>> -> memref<640x128xf32, #tpu.memory_space<vmem_shared>>
      tpu.wait_dma2 semaphore(%run_scoped3A : memref<!tpu.dma_semaphore, #tpu.memory_space<semaphore_mem>>) src(%dma_wait3A_77 : memref<640x128xf32, #tpu.memory_space<vmem_shared>>) dst(%dma_wait3A_75 : memref<640x128xf32, #tpu.memory_space<hbm>>)
      tpu.yield
    }) : () -> ()
    return
  }
}

#map = affine_map<(d0, d1) -> (0, 0)>
#map1 = affine_map<(d0, d1) -> (0, 0, 0)>
module attributes {stable_mosaic.version = 14 : i64} {
  func.func @_sc_prop(%arg0: i32, %arg1: i32, %arg2: memref<10000x128xf32, #tpu.memory_space<hbm>>, %arg3: memref<2560x128xi32, #tpu.memory_space<hbm>>, %arg4: memref<2560x128xi32, #tpu.memory_space<hbm>>, %arg5: memref<640x128xf32, #tpu.memory_space<hbm>>, %arg6: memref<2x10240x128xf32, #tpu.memory_space<hbm>>, %arg7: memref<10240x128xf32, #tpu.memory_space<vmem_shared>>, %arg8: memref<128xi32, #tpu.memory_space<vmem>>, %arg9: memref<128xi32, #tpu.memory_space<vmem>>, %arg10: memref<128xi32, #tpu.memory_space<vmem>>, %arg11: memref<128xi32, #tpu.memory_space<vmem>>, %arg12: memref<128x128xf32, #tpu.memory_space<vmem>>, %arg13: memref<128x128xf32, #tpu.memory_space<vmem>>, %arg14: memref<!tpu.dma_semaphore, #tpu.memory_space<semaphore_mem>>, %arg15: memref<!tpu.dma_semaphore, #tpu.memory_space<semaphore_mem>>, %arg16: memref<!tpu.dma_semaphore, #tpu.memory_space<semaphore_mem>>, %arg17: memref<!tpu.dma_semaphore, #tpu.memory_space<semaphore_mem>>, %arg18: memref<!tpu.dma_semaphore, #tpu.memory_space<semaphore_mem>>, %arg19: memref<!tpu.dma_semaphore, #tpu.memory_space<semaphore_mem>>) attributes {dimension_semantics = [#tpu.dimension_semantics<core_parallel>, #tpu.dimension_semantics<subcore_parallel>], iteration_bounds = array<i64: 2, 16>, scalar_prefetch = 0 : i64, scratch_operands = 13 : i64, tpu.core_type = #tpu.core_type<sc_vector_subcore>, window_params = [{transform_indices = #map}, {transform_indices = #map}, {transform_indices = #map}, {transform_indices = #map}, {transform_indices = #map1}]} {
    %eq3A = arith.constant 0 : i32
    %eq3A_0 = arith.cmpi eq, %arg0, %eq3A : i32
    %jit3A = arith.constant 150 : i32
    %jit3A_1 = arith.constant 10 : i32
    %select_n3A = arith.select %eq3A_0, %jit3A, %jit3A_1 : i32
    %eq3A_2 = arith.constant 0 : i32
    %eq3A_3 = arith.cmpi eq, %arg0, %eq3A_2 : i32
    %mul3A = arith.constant 150 : i32
    %mul3A_4 = arith.muli %arg1, %mul3A : i32
    %mul3A_5 = arith.constant 10 : i32
    %mul3A_6 = arith.muli %arg1, %mul3A_5 : i32
    %add3A = arith.constant 2400 : i32
    %add3A_7 = arith.addi %add3A, %mul3A_6 : i32
    %select_n3A_8 = arith.select %eq3A_3, %mul3A_4, %add3A_7 : i32
    %mul3A_9 = arith.constant 640 : i32
    %mul3A_10 = arith.muli %arg1, %mul3A_9 : i32
    "tpu.region"() ({
      %run_scoped3A = tpu.sem_alloc : memref<!tpu.dma_semaphore, #tpu.memory_space<semaphore_mem>>
      %dma_start3A_68 = arith.constant 0 : i32
      %dma_start3A_69 = tpu.memref_slice %arg7[%mul3A_10, %dma_start3A_68] : memref<10240x128xf32, #tpu.memory_space<vmem_shared>> -> memref<640x128xf32, #tpu.memory_space<vmem_shared>>
      tpu.enqueue_dma source(%arg5 : memref<640x128xf32, #tpu.memory_space<hbm>>) target(%dma_start3A_69 : memref<640x128xf32, #tpu.memory_space<vmem_shared>>) target_semaphore(%run_scoped3A : memref<!tpu.dma_semaphore, #tpu.memory_space<semaphore_mem>>)
      %dma_wait3A_70 = arith.constant 0 : i32
      %dma_wait3A_71 = tpu.memref_slice %arg7[%mul3A_10, %dma_wait3A_70] : memref<10240x128xf32, #tpu.memory_space<vmem_shared>> -> memref<640x128xf32, #tpu.memory_space<vmem_shared>>
      tpu.wait_dma2 semaphore(%run_scoped3A : memref<!tpu.dma_semaphore, #tpu.memory_space<semaphore_mem>>) src(%arg5 : memref<640x128xf32, #tpu.memory_space<hbm>>) dst(%dma_wait3A_71 : memref<640x128xf32, #tpu.memory_space<vmem_shared>>)
      tpu.yield
    }) : () -> ()
    %dma_start3A = arith.constant 0 : i32
    %dma_start3A_11 = tpu.memref_slice %arg3[%select_n3A_8, %dma_start3A] : memref<2560x128xi32, #tpu.memory_space<hbm>> -> memref<1x128xi32, #tpu.memory_space<hbm>>
    %dma_start3A_12 = tpu.memref_squeeze %dma_start3A_11 : memref<1x128xi32, #tpu.memory_space<hbm>> -> memref<128xi32, #tpu.memory_space<hbm>>
    %dma_start3A_13 = arith.constant 0 : i32
    %dma_start3A_14 = tpu.memref_slice %arg3[%select_n3A_8, %dma_start3A_13] : memref<2560x128xi32, #tpu.memory_space<hbm>> -> memref<1x128xi32, #tpu.memory_space<hbm>>
    %dma_start3A_15 = tpu.memref_squeeze %dma_start3A_14 : memref<1x128xi32, #tpu.memory_space<hbm>> -> memref<128xi32, #tpu.memory_space<hbm>>
    tpu.enqueue_dma source(%dma_start3A_15 : memref<128xi32, #tpu.memory_space<hbm>>) target(%arg8 : memref<128xi32, #tpu.memory_space<vmem>>) target_semaphore(%arg14 : memref<!tpu.dma_semaphore, #tpu.memory_space<semaphore_mem>>)
    %dma_start3A_16 = arith.constant 0 : i32
    %dma_start3A_17 = tpu.memref_slice %arg4[%select_n3A_8, %dma_start3A_16] : memref<2560x128xi32, #tpu.memory_space<hbm>> -> memref<1x128xi32, #tpu.memory_space<hbm>>
    %dma_start3A_18 = tpu.memref_squeeze %dma_start3A_17 : memref<1x128xi32, #tpu.memory_space<hbm>> -> memref<128xi32, #tpu.memory_space<hbm>>
    %dma_start3A_19 = arith.constant 0 : i32
    %dma_start3A_20 = tpu.memref_slice %arg4[%select_n3A_8, %dma_start3A_19] : memref<2560x128xi32, #tpu.memory_space<hbm>> -> memref<1x128xi32, #tpu.memory_space<hbm>>
    %dma_start3A_21 = tpu.memref_squeeze %dma_start3A_20 : memref<1x128xi32, #tpu.memory_space<hbm>> -> memref<128xi32, #tpu.memory_space<hbm>>
    tpu.enqueue_dma source(%dma_start3A_21 : memref<128xi32, #tpu.memory_space<hbm>>) target(%arg10 : memref<128xi32, #tpu.memory_space<vmem>>) target_semaphore(%arg16 : memref<!tpu.dma_semaphore, #tpu.memory_space<semaphore_mem>>)
    %barrier3A = arith.constant 0 : index
    tpu.barrier barrier_id(%barrier3A)
    %add3A_22 = arith.addi %select_n3A_8, %select_n3A : i32
    %sub3A = arith.constant 1 : i32
    %sub3A_23 = arith.subi %add3A_22, %sub3A : i32
    %jit3A_24 = arith.constant 2 : i32
    %div3A = arith.divsi %select_n3A, %jit3A_24 : i32
    %sign3A = arith.constant 0 : i32
    %sign3A_25 = arith.cmpi sgt, %select_n3A, %sign3A : i32
    %sign3A_26 = arith.extui %sign3A_25 : i1 to i32
    %sign3A_27 = arith.constant 0 : i32
    %sign3A_28 = arith.cmpi slt, %select_n3A, %sign3A_27 : i32
    %sign3A_29 = arith.extui %sign3A_28 : i1 to i32
    %sign3A_30 = arith.subi %sign3A_26, %sign3A_29 : i32
    %sign3A_31 = arith.constant 0 : i32
    %sign3A_32 = arith.cmpi sgt, %jit3A_24, %sign3A_31 : i32
    %sign3A_33 = arith.extui %sign3A_32 : i1 to i32
    %sign3A_34 = arith.constant 0 : i32
    %sign3A_35 = arith.cmpi slt, %jit3A_24, %sign3A_34 : i32
    %sign3A_36 = arith.extui %sign3A_35 : i1 to i32
    %sign3A_37 = arith.subi %sign3A_33, %sign3A_36 : i32
    %ne3A = arith.cmpi ne, %sign3A_30, %sign3A_37 : i32
    %rem3A = arith.remsi %select_n3A, %jit3A_24 : i32
    %ne3A_38 = arith.constant 0 : i32
    %ne3A_39 = arith.cmpi ne, %rem3A, %ne3A_38 : i32
    %and3A = arith.andi %ne3A, %ne3A_39 : i1
    %sub3A_40 = arith.constant 1 : i32
    %sub3A_41 = arith.subi %div3A, %sub3A_40 : i32
    %select_n3A_42 = arith.select %and3A, %sub3A_41, %div3A : i32
    %while3A = arith.constant 0 : i32
    %while3A_43 = arith.constant 0 : i32
    %while3A_44 = arith.subi %select_n3A_42, %while3A_43 : i32
    %while3A_45 = arith.addi %while3A_43, %while3A_44 : i32
    %while3A_46 = arith.constant 1 : i32
    %while3A_47 = arith.divsi %while3A_44, %while3A_46 : i32
    %while3A_48 = arith.muli %while3A_47, %while3A_46 : i32
    %while3A_49 = arith.addi %while3A_43, %while3A_48 : i32
    %while3A_50 = arith.constant 1 : i32
    scf.for %while3A_68 = %while3A_43 to %while3A_49 step %while3A_50  : i32 {
      %mul3A_69 = arith.constant 2 : i32
      %mul3A_70 = arith.muli %mul3A_69, %while3A_68 : i32
      %add3A_71 = arith.addi %select_n3A_8, %mul3A_70 : i32
      %add3A_72 = arith.constant 1 : i32
      %add3A_73 = arith.addi %add3A_71, %add3A_72 : i32
      %add3A_74 = arith.constant 2 : i32
      %add3A_75 = arith.addi %add3A_71, %add3A_74 : i32
      %min3A = arith.minsi %add3A_75, %sub3A_23 : i32
      %dma_wait3A_76 = arith.constant 0 : i32
      %dma_wait3A_77 = tpu.memref_slice %arg3[%add3A_71, %dma_wait3A_76] : memref<2560x128xi32, #tpu.memory_space<hbm>> -> memref<1x128xi32, #tpu.memory_space<hbm>>
      %dma_wait3A_78 = tpu.memref_squeeze %dma_wait3A_77 : memref<1x128xi32, #tpu.memory_space<hbm>> -> memref<128xi32, #tpu.memory_space<hbm>>
      %dma_wait3A_79 = arith.constant 0 : i32
      %dma_wait3A_80 = tpu.memref_slice %arg3[%add3A_71, %dma_wait3A_79] : memref<2560x128xi32, #tpu.memory_space<hbm>> -> memref<1x128xi32, #tpu.memory_space<hbm>>
      %dma_wait3A_81 = tpu.memref_squeeze %dma_wait3A_80 : memref<1x128xi32, #tpu.memory_space<hbm>> -> memref<128xi32, #tpu.memory_space<hbm>>
      tpu.wait_dma2 semaphore(%arg14 : memref<!tpu.dma_semaphore, #tpu.memory_space<semaphore_mem>>) src(%dma_wait3A_81 : memref<128xi32, #tpu.memory_space<hbm>>) dst(%arg8 : memref<128xi32, #tpu.memory_space<vmem>>)
      %dma_wait3A_82 = arith.constant 0 : i32
      %dma_wait3A_83 = tpu.memref_slice %arg4[%add3A_71, %dma_wait3A_82] : memref<2560x128xi32, #tpu.memory_space<hbm>> -> memref<1x128xi32, #tpu.memory_space<hbm>>
      %dma_wait3A_84 = tpu.memref_squeeze %dma_wait3A_83 : memref<1x128xi32, #tpu.memory_space<hbm>> -> memref<128xi32, #tpu.memory_space<hbm>>
      %dma_wait3A_85 = arith.constant 0 : i32
      %dma_wait3A_86 = tpu.memref_slice %arg4[%add3A_71, %dma_wait3A_85] : memref<2560x128xi32, #tpu.memory_space<hbm>> -> memref<1x128xi32, #tpu.memory_space<hbm>>
      %dma_wait3A_87 = tpu.memref_squeeze %dma_wait3A_86 : memref<1x128xi32, #tpu.memory_space<hbm>> -> memref<128xi32, #tpu.memory_space<hbm>>
      tpu.wait_dma2 semaphore(%arg16 : memref<!tpu.dma_semaphore, #tpu.memory_space<semaphore_mem>>) src(%dma_wait3A_87 : memref<128xi32, #tpu.memory_space<hbm>>) dst(%arg10 : memref<128xi32, #tpu.memory_space<vmem>>)
      %dma_start3A_88 = arith.constant 0 : i32
      %dma_start3A_89 = arith.constant 0 : i32
      %dma_start3A_90 = tpu.memref_slice %arg2[%dma_start3A_88, %dma_start3A_89] : memref<10000x128xf32, #tpu.memory_space<hbm>> -> memref<10000x128xf32, #tpu.memory_space<hbm>>
      tpu.enqueue_indirect_dma source(%dma_start3A_90 : memref<10000x128xf32, #tpu.memory_space<hbm>>) target(%arg12 : memref<128x128xf32, #tpu.memory_space<vmem>>) offsets(%arg8 : memref<128xi32, #tpu.memory_space<vmem>>) semaphore(%arg18 : memref<!tpu.dma_semaphore, #tpu.memory_space<semaphore_mem>>)
      %dma_start3A_91 = arith.constant 0 : i32
      %dma_start3A_92 = tpu.memref_slice %arg3[%add3A_73, %dma_start3A_91] : memref<2560x128xi32, #tpu.memory_space<hbm>> -> memref<1x128xi32, #tpu.memory_space<hbm>>
      %dma_start3A_93 = tpu.memref_squeeze %dma_start3A_92 : memref<1x128xi32, #tpu.memory_space<hbm>> -> memref<128xi32, #tpu.memory_space<hbm>>
      %dma_start3A_94 = arith.constant 0 : i32
      %dma_start3A_95 = tpu.memref_slice %arg3[%add3A_73, %dma_start3A_94] : memref<2560x128xi32, #tpu.memory_space<hbm>> -> memref<1x128xi32, #tpu.memory_space<hbm>>
      %dma_start3A_96 = tpu.memref_squeeze %dma_start3A_95 : memref<1x128xi32, #tpu.memory_space<hbm>> -> memref<128xi32, #tpu.memory_space<hbm>>
      tpu.enqueue_dma source(%dma_start3A_96 : memref<128xi32, #tpu.memory_space<hbm>>) target(%arg9 : memref<128xi32, #tpu.memory_space<vmem>>) target_semaphore(%arg15 : memref<!tpu.dma_semaphore, #tpu.memory_space<semaphore_mem>>)
      %dma_start3A_97 = arith.constant 0 : i32
      %dma_start3A_98 = tpu.memref_slice %arg4[%add3A_73, %dma_start3A_97] : memref<2560x128xi32, #tpu.memory_space<hbm>> -> memref<1x128xi32, #tpu.memory_space<hbm>>
      %dma_start3A_99 = tpu.memref_squeeze %dma_start3A_98 : memref<1x128xi32, #tpu.memory_space<hbm>> -> memref<128xi32, #tpu.memory_space<hbm>>
      %dma_start3A_100 = arith.constant 0 : i32
      %dma_start3A_101 = tpu.memref_slice %arg4[%add3A_73, %dma_start3A_100] : memref<2560x128xi32, #tpu.memory_space<hbm>> -> memref<1x128xi32, #tpu.memory_space<hbm>>
      %dma_start3A_102 = tpu.memref_squeeze %dma_start3A_101 : memref<1x128xi32, #tpu.memory_space<hbm>> -> memref<128xi32, #tpu.memory_space<hbm>>
      tpu.enqueue_dma source(%dma_start3A_102 : memref<128xi32, #tpu.memory_space<hbm>>) target(%arg11 : memref<128xi32, #tpu.memory_space<vmem>>) target_semaphore(%arg17 : memref<!tpu.dma_semaphore, #tpu.memory_space<semaphore_mem>>)
      %dma_wait3A_103 = arith.constant 0 : i32
      %dma_wait3A_104 = arith.constant 0 : i32
      %dma_wait3A_105 = tpu.memref_slice %arg2[%dma_wait3A_103, %dma_wait3A_104] : memref<10000x128xf32, #tpu.memory_space<hbm>> -> memref<10000x128xf32, #tpu.memory_space<hbm>>
      tpu.wait_indirect_dma semaphore(%arg18 : memref<!tpu.dma_semaphore, #tpu.memory_space<semaphore_mem>>) src(%dma_wait3A_105 : memref<10000x128xf32, #tpu.memory_space<hbm>>) dst(%arg12 : memref<128x128xf32, #tpu.memory_space<vmem>>)
      %dma_start3A_106 = arith.constant 0 : i32
      %dma_start3A_107 = arith.constant 0 : i32
      %dma_start3A_108 = tpu.memref_slice %arg7[%dma_start3A_106, %dma_start3A_107] : memref<10240x128xf32, #tpu.memory_space<vmem_shared>> -> memref<10240x128xf32, #tpu.memory_space<vmem_shared>>
      tpu.enqueue_indirect_dma source(%arg12 : memref<128x128xf32, #tpu.memory_space<vmem>>) target(%dma_start3A_108 : memref<10240x128xf32, #tpu.memory_space<vmem_shared>>) offsets(%arg10 : memref<128xi32, #tpu.memory_space<vmem>>) semaphore(%arg19 : memref<!tpu.dma_semaphore, #tpu.memory_space<semaphore_mem>>) {add = true}
      %dma_wait3A_109 = arith.constant 0 : i32
      %dma_wait3A_110 = tpu.memref_slice %arg3[%add3A_73, %dma_wait3A_109] : memref<2560x128xi32, #tpu.memory_space<hbm>> -> memref<1x128xi32, #tpu.memory_space<hbm>>
      %dma_wait3A_111 = tpu.memref_squeeze %dma_wait3A_110 : memref<1x128xi32, #tpu.memory_space<hbm>> -> memref<128xi32, #tpu.memory_space<hbm>>
      %dma_wait3A_112 = arith.constant 0 : i32
      %dma_wait3A_113 = tpu.memref_slice %arg3[%add3A_73, %dma_wait3A_112] : memref<2560x128xi32, #tpu.memory_space<hbm>> -> memref<1x128xi32, #tpu.memory_space<hbm>>
      %dma_wait3A_114 = tpu.memref_squeeze %dma_wait3A_113 : memref<1x128xi32, #tpu.memory_space<hbm>> -> memref<128xi32, #tpu.memory_space<hbm>>
      tpu.wait_dma2 semaphore(%arg15 : memref<!tpu.dma_semaphore, #tpu.memory_space<semaphore_mem>>) src(%dma_wait3A_114 : memref<128xi32, #tpu.memory_space<hbm>>) dst(%arg9 : memref<128xi32, #tpu.memory_space<vmem>>)
      %dma_wait3A_115 = arith.constant 0 : i32
      %dma_wait3A_116 = tpu.memref_slice %arg4[%add3A_73, %dma_wait3A_115] : memref<2560x128xi32, #tpu.memory_space<hbm>> -> memref<1x128xi32, #tpu.memory_space<hbm>>
      %dma_wait3A_117 = tpu.memref_squeeze %dma_wait3A_116 : memref<1x128xi32, #tpu.memory_space<hbm>> -> memref<128xi32, #tpu.memory_space<hbm>>
      %dma_wait3A_118 = arith.constant 0 : i32
      %dma_wait3A_119 = tpu.memref_slice %arg4[%add3A_73, %dma_wait3A_118] : memref<2560x128xi32, #tpu.memory_space<hbm>> -> memref<1x128xi32, #tpu.memory_space<hbm>>
      %dma_wait3A_120 = tpu.memref_squeeze %dma_wait3A_119 : memref<1x128xi32, #tpu.memory_space<hbm>> -> memref<128xi32, #tpu.memory_space<hbm>>
      tpu.wait_dma2 semaphore(%arg17 : memref<!tpu.dma_semaphore, #tpu.memory_space<semaphore_mem>>) src(%dma_wait3A_120 : memref<128xi32, #tpu.memory_space<hbm>>) dst(%arg11 : memref<128xi32, #tpu.memory_space<vmem>>)
      %dma_start3A_121 = arith.constant 0 : i32
      %dma_start3A_122 = arith.constant 0 : i32
      %dma_start3A_123 = tpu.memref_slice %arg2[%dma_start3A_121, %dma_start3A_122] : memref<10000x128xf32, #tpu.memory_space<hbm>> -> memref<10000x128xf32, #tpu.memory_space<hbm>>
      tpu.enqueue_indirect_dma source(%dma_start3A_123 : memref<10000x128xf32, #tpu.memory_space<hbm>>) target(%arg13 : memref<128x128xf32, #tpu.memory_space<vmem>>) offsets(%arg9 : memref<128xi32, #tpu.memory_space<vmem>>) semaphore(%arg18 : memref<!tpu.dma_semaphore, #tpu.memory_space<semaphore_mem>>)
      %dma_wait3A_124 = arith.constant 0 : i32
      %dma_wait3A_125 = arith.constant 0 : i32
      %dma_wait3A_126 = tpu.memref_slice %arg2[%dma_wait3A_124, %dma_wait3A_125] : memref<10000x128xf32, #tpu.memory_space<hbm>> -> memref<10000x128xf32, #tpu.memory_space<hbm>>
      tpu.wait_indirect_dma semaphore(%arg18 : memref<!tpu.dma_semaphore, #tpu.memory_space<semaphore_mem>>) src(%dma_wait3A_126 : memref<10000x128xf32, #tpu.memory_space<hbm>>) dst(%arg13 : memref<128x128xf32, #tpu.memory_space<vmem>>)
      %dma_start3A_127 = arith.constant 0 : i32
      %dma_start3A_128 = arith.constant 0 : i32
      %dma_start3A_129 = tpu.memref_slice %arg7[%dma_start3A_127, %dma_start3A_128] : memref<10240x128xf32, #tpu.memory_space<vmem_shared>> -> memref<10240x128xf32, #tpu.memory_space<vmem_shared>>
      tpu.enqueue_indirect_dma source(%arg13 : memref<128x128xf32, #tpu.memory_space<vmem>>) target(%dma_start3A_129 : memref<10240x128xf32, #tpu.memory_space<vmem_shared>>) offsets(%arg11 : memref<128xi32, #tpu.memory_space<vmem>>) semaphore(%arg19 : memref<!tpu.dma_semaphore, #tpu.memory_space<semaphore_mem>>) {add = true}
      %dma_wait3A_130 = arith.constant 0 : i32
      %dma_wait3A_131 = arith.constant 0 : i32
      %dma_wait3A_132 = tpu.memref_slice %arg7[%dma_wait3A_130, %dma_wait3A_131] : memref<10240x128xf32, #tpu.memory_space<vmem_shared>> -> memref<10240x128xf32, #tpu.memory_space<vmem_shared>>
      tpu.wait_indirect_dma semaphore(%arg19 : memref<!tpu.dma_semaphore, #tpu.memory_space<semaphore_mem>>) src(%arg12 : memref<128x128xf32, #tpu.memory_space<vmem>>) dst(%dma_wait3A_132 : memref<10240x128xf32, #tpu.memory_space<vmem_shared>>)
      %dma_start3A_133 = arith.constant 0 : i32
      %dma_start3A_134 = tpu.memref_slice %arg3[%min3A, %dma_start3A_133] : memref<2560x128xi32, #tpu.memory_space<hbm>> -> memref<1x128xi32, #tpu.memory_space<hbm>>
      %dma_start3A_135 = tpu.memref_squeeze %dma_start3A_134 : memref<1x128xi32, #tpu.memory_space<hbm>> -> memref<128xi32, #tpu.memory_space<hbm>>
      %dma_start3A_136 = arith.constant 0 : i32
      %dma_start3A_137 = tpu.memref_slice %arg3[%min3A, %dma_start3A_136] : memref<2560x128xi32, #tpu.memory_space<hbm>> -> memref<1x128xi32, #tpu.memory_space<hbm>>
      %dma_start3A_138 = tpu.memref_squeeze %dma_start3A_137 : memref<1x128xi32, #tpu.memory_space<hbm>> -> memref<128xi32, #tpu.memory_space<hbm>>
      tpu.enqueue_dma source(%dma_start3A_138 : memref<128xi32, #tpu.memory_space<hbm>>) target(%arg8 : memref<128xi32, #tpu.memory_space<vmem>>) target_semaphore(%arg14 : memref<!tpu.dma_semaphore, #tpu.memory_space<semaphore_mem>>)
      %dma_start3A_139 = arith.constant 0 : i32
      %dma_start3A_140 = tpu.memref_slice %arg4[%min3A, %dma_start3A_139] : memref<2560x128xi32, #tpu.memory_space<hbm>> -> memref<1x128xi32, #tpu.memory_space<hbm>>
      %dma_start3A_141 = tpu.memref_squeeze %dma_start3A_140 : memref<1x128xi32, #tpu.memory_space<hbm>> -> memref<128xi32, #tpu.memory_space<hbm>>
      %dma_start3A_142 = arith.constant 0 : i32
      %dma_start3A_143 = tpu.memref_slice %arg4[%min3A, %dma_start3A_142] : memref<2560x128xi32, #tpu.memory_space<hbm>> -> memref<1x128xi32, #tpu.memory_space<hbm>>
      %dma_start3A_144 = tpu.memref_squeeze %dma_start3A_143 : memref<1x128xi32, #tpu.memory_space<hbm>> -> memref<128xi32, #tpu.memory_space<hbm>>
      tpu.enqueue_dma source(%dma_start3A_144 : memref<128xi32, #tpu.memory_space<hbm>>) target(%arg10 : memref<128xi32, #tpu.memory_space<vmem>>) target_semaphore(%arg16 : memref<!tpu.dma_semaphore, #tpu.memory_space<semaphore_mem>>)
      %dma_wait3A_145 = arith.constant 0 : i32
      %dma_wait3A_146 = arith.constant 0 : i32
      %dma_wait3A_147 = tpu.memref_slice %arg7[%dma_wait3A_145, %dma_wait3A_146] : memref<10240x128xf32, #tpu.memory_space<vmem_shared>> -> memref<10240x128xf32, #tpu.memory_space<vmem_shared>>
      tpu.wait_indirect_dma semaphore(%arg19 : memref<!tpu.dma_semaphore, #tpu.memory_space<semaphore_mem>>) src(%arg13 : memref<128x128xf32, #tpu.memory_space<vmem>>) dst(%dma_wait3A_147 : memref<10240x128xf32, #tpu.memory_space<vmem_shared>>)
    }
    %while3A_51 = arith.constant 1 : i32
    scf.for %while3A_68 = %while3A_49 to %while3A_45 step %while3A_51  : i32 {
      %mul3A_69 = arith.constant 2 : i32
      %mul3A_70 = arith.muli %mul3A_69, %while3A_68 : i32
      %add3A_71 = arith.addi %select_n3A_8, %mul3A_70 : i32
      %add3A_72 = arith.constant 1 : i32
      %add3A_73 = arith.addi %add3A_71, %add3A_72 : i32
      %add3A_74 = arith.constant 2 : i32
      %add3A_75 = arith.addi %add3A_71, %add3A_74 : i32
      %min3A = arith.minsi %add3A_75, %sub3A_23 : i32
      %dma_wait3A_76 = arith.constant 0 : i32
      %dma_wait3A_77 = tpu.memref_slice %arg3[%add3A_71, %dma_wait3A_76] : memref<2560x128xi32, #tpu.memory_space<hbm>> -> memref<1x128xi32, #tpu.memory_space<hbm>>
      %dma_wait3A_78 = tpu.memref_squeeze %dma_wait3A_77 : memref<1x128xi32, #tpu.memory_space<hbm>> -> memref<128xi32, #tpu.memory_space<hbm>>
      %dma_wait3A_79 = arith.constant 0 : i32
      %dma_wait3A_80 = tpu.memref_slice %arg3[%add3A_71, %dma_wait3A_79] : memref<2560x128xi32, #tpu.memory_space<hbm>> -> memref<1x128xi32, #tpu.memory_space<hbm>>
      %dma_wait3A_81 = tpu.memref_squeeze %dma_wait3A_80 : memref<1x128xi32, #tpu.memory_space<hbm>> -> memref<128xi32, #tpu.memory_space<hbm>>
      tpu.wait_dma2 semaphore(%arg14 : memref<!tpu.dma_semaphore, #tpu.memory_space<semaphore_mem>>) src(%dma_wait3A_81 : memref<128xi32, #tpu.memory_space<hbm>>) dst(%arg8 : memref<128xi32, #tpu.memory_space<vmem>>)
      %dma_wait3A_82 = arith.constant 0 : i32
      %dma_wait3A_83 = tpu.memref_slice %arg4[%add3A_71, %dma_wait3A_82] : memref<2560x128xi32, #tpu.memory_space<hbm>> -> memref<1x128xi32, #tpu.memory_space<hbm>>
      %dma_wait3A_84 = tpu.memref_squeeze %dma_wait3A_83 : memref<1x128xi32, #tpu.memory_space<hbm>> -> memref<128xi32, #tpu.memory_space<hbm>>
      %dma_wait3A_85 = arith.constant 0 : i32
      %dma_wait3A_86 = tpu.memref_slice %arg4[%add3A_71, %dma_wait3A_85] : memref<2560x128xi32, #tpu.memory_space<hbm>> -> memref<1x128xi32, #tpu.memory_space<hbm>>
      %dma_wait3A_87 = tpu.memref_squeeze %dma_wait3A_86 : memref<1x128xi32, #tpu.memory_space<hbm>> -> memref<128xi32, #tpu.memory_space<hbm>>
      tpu.wait_dma2 semaphore(%arg16 : memref<!tpu.dma_semaphore, #tpu.memory_space<semaphore_mem>>) src(%dma_wait3A_87 : memref<128xi32, #tpu.memory_space<hbm>>) dst(%arg10 : memref<128xi32, #tpu.memory_space<vmem>>)
      %dma_start3A_88 = arith.constant 0 : i32
      %dma_start3A_89 = arith.constant 0 : i32
      %dma_start3A_90 = tpu.memref_slice %arg2[%dma_start3A_88, %dma_start3A_89] : memref<10000x128xf32, #tpu.memory_space<hbm>> -> memref<10000x128xf32, #tpu.memory_space<hbm>>
      tpu.enqueue_indirect_dma source(%dma_start3A_90 : memref<10000x128xf32, #tpu.memory_space<hbm>>) target(%arg12 : memref<128x128xf32, #tpu.memory_space<vmem>>) offsets(%arg8 : memref<128xi32, #tpu.memory_space<vmem>>) semaphore(%arg18 : memref<!tpu.dma_semaphore, #tpu.memory_space<semaphore_mem>>)
      %dma_start3A_91 = arith.constant 0 : i32
      %dma_start3A_92 = tpu.memref_slice %arg3[%add3A_73, %dma_start3A_91] : memref<2560x128xi32, #tpu.memory_space<hbm>> -> memref<1x128xi32, #tpu.memory_space<hbm>>
      %dma_start3A_93 = tpu.memref_squeeze %dma_start3A_92 : memref<1x128xi32, #tpu.memory_space<hbm>> -> memref<128xi32, #tpu.memory_space<hbm>>
      %dma_start3A_94 = arith.constant 0 : i32
      %dma_start3A_95 = tpu.memref_slice %arg3[%add3A_73, %dma_start3A_94] : memref<2560x128xi32, #tpu.memory_space<hbm>> -> memref<1x128xi32, #tpu.memory_space<hbm>>
      %dma_start3A_96 = tpu.memref_squeeze %dma_start3A_95 : memref<1x128xi32, #tpu.memory_space<hbm>> -> memref<128xi32, #tpu.memory_space<hbm>>
      tpu.enqueue_dma source(%dma_start3A_96 : memref<128xi32, #tpu.memory_space<hbm>>) target(%arg9 : memref<128xi32, #tpu.memory_space<vmem>>) target_semaphore(%arg15 : memref<!tpu.dma_semaphore, #tpu.memory_space<semaphore_mem>>)
      %dma_start3A_97 = arith.constant 0 : i32
      %dma_start3A_98 = tpu.memref_slice %arg4[%add3A_73, %dma_start3A_97] : memref<2560x128xi32, #tpu.memory_space<hbm>> -> memref<1x128xi32, #tpu.memory_space<hbm>>
      %dma_start3A_99 = tpu.memref_squeeze %dma_start3A_98 : memref<1x128xi32, #tpu.memory_space<hbm>> -> memref<128xi32, #tpu.memory_space<hbm>>
      %dma_start3A_100 = arith.constant 0 : i32
      %dma_start3A_101 = tpu.memref_slice %arg4[%add3A_73, %dma_start3A_100] : memref<2560x128xi32, #tpu.memory_space<hbm>> -> memref<1x128xi32, #tpu.memory_space<hbm>>
      %dma_start3A_102 = tpu.memref_squeeze %dma_start3A_101 : memref<1x128xi32, #tpu.memory_space<hbm>> -> memref<128xi32, #tpu.memory_space<hbm>>
      tpu.enqueue_dma source(%dma_start3A_102 : memref<128xi32, #tpu.memory_space<hbm>>) target(%arg11 : memref<128xi32, #tpu.memory_space<vmem>>) target_semaphore(%arg17 : memref<!tpu.dma_semaphore, #tpu.memory_space<semaphore_mem>>)
      %dma_wait3A_103 = arith.constant 0 : i32
      %dma_wait3A_104 = arith.constant 0 : i32
      %dma_wait3A_105 = tpu.memref_slice %arg2[%dma_wait3A_103, %dma_wait3A_104] : memref<10000x128xf32, #tpu.memory_space<hbm>> -> memref<10000x128xf32, #tpu.memory_space<hbm>>
      tpu.wait_indirect_dma semaphore(%arg18 : memref<!tpu.dma_semaphore, #tpu.memory_space<semaphore_mem>>) src(%dma_wait3A_105 : memref<10000x128xf32, #tpu.memory_space<hbm>>) dst(%arg12 : memref<128x128xf32, #tpu.memory_space<vmem>>)
      %dma_start3A_106 = arith.constant 0 : i32
      %dma_start3A_107 = arith.constant 0 : i32
      %dma_start3A_108 = tpu.memref_slice %arg7[%dma_start3A_106, %dma_start3A_107] : memref<10240x128xf32, #tpu.memory_space<vmem_shared>> -> memref<10240x128xf32, #tpu.memory_space<vmem_shared>>
      tpu.enqueue_indirect_dma source(%arg12 : memref<128x128xf32, #tpu.memory_space<vmem>>) target(%dma_start3A_108 : memref<10240x128xf32, #tpu.memory_space<vmem_shared>>) offsets(%arg10 : memref<128xi32, #tpu.memory_space<vmem>>) semaphore(%arg19 : memref<!tpu.dma_semaphore, #tpu.memory_space<semaphore_mem>>) {add = true}
      %dma_wait3A_109 = arith.constant 0 : i32
      %dma_wait3A_110 = tpu.memref_slice %arg3[%add3A_73, %dma_wait3A_109] : memref<2560x128xi32, #tpu.memory_space<hbm>> -> memref<1x128xi32, #tpu.memory_space<hbm>>
      %dma_wait3A_111 = tpu.memref_squeeze %dma_wait3A_110 : memref<1x128xi32, #tpu.memory_space<hbm>> -> memref<128xi32, #tpu.memory_space<hbm>>
      %dma_wait3A_112 = arith.constant 0 : i32
      %dma_wait3A_113 = tpu.memref_slice %arg3[%add3A_73, %dma_wait3A_112] : memref<2560x128xi32, #tpu.memory_space<hbm>> -> memref<1x128xi32, #tpu.memory_space<hbm>>
      %dma_wait3A_114 = tpu.memref_squeeze %dma_wait3A_113 : memref<1x128xi32, #tpu.memory_space<hbm>> -> memref<128xi32, #tpu.memory_space<hbm>>
      tpu.wait_dma2 semaphore(%arg15 : memref<!tpu.dma_semaphore, #tpu.memory_space<semaphore_mem>>) src(%dma_wait3A_114 : memref<128xi32, #tpu.memory_space<hbm>>) dst(%arg9 : memref<128xi32, #tpu.memory_space<vmem>>)
      %dma_wait3A_115 = arith.constant 0 : i32
      %dma_wait3A_116 = tpu.memref_slice %arg4[%add3A_73, %dma_wait3A_115] : memref<2560x128xi32, #tpu.memory_space<hbm>> -> memref<1x128xi32, #tpu.memory_space<hbm>>
      %dma_wait3A_117 = tpu.memref_squeeze %dma_wait3A_116 : memref<1x128xi32, #tpu.memory_space<hbm>> -> memref<128xi32, #tpu.memory_space<hbm>>
      %dma_wait3A_118 = arith.constant 0 : i32
      %dma_wait3A_119 = tpu.memref_slice %arg4[%add3A_73, %dma_wait3A_118] : memref<2560x128xi32, #tpu.memory_space<hbm>> -> memref<1x128xi32, #tpu.memory_space<hbm>>
      %dma_wait3A_120 = tpu.memref_squeeze %dma_wait3A_119 : memref<1x128xi32, #tpu.memory_space<hbm>> -> memref<128xi32, #tpu.memory_space<hbm>>
      tpu.wait_dma2 semaphore(%arg17 : memref<!tpu.dma_semaphore, #tpu.memory_space<semaphore_mem>>) src(%dma_wait3A_120 : memref<128xi32, #tpu.memory_space<hbm>>) dst(%arg11 : memref<128xi32, #tpu.memory_space<vmem>>)
      %dma_start3A_121 = arith.constant 0 : i32
      %dma_start3A_122 = arith.constant 0 : i32
      %dma_start3A_123 = tpu.memref_slice %arg2[%dma_start3A_121, %dma_start3A_122] : memref<10000x128xf32, #tpu.memory_space<hbm>> -> memref<10000x128xf32, #tpu.memory_space<hbm>>
      tpu.enqueue_indirect_dma source(%dma_start3A_123 : memref<10000x128xf32, #tpu.memory_space<hbm>>) target(%arg13 : memref<128x128xf32, #tpu.memory_space<vmem>>) offsets(%arg9 : memref<128xi32, #tpu.memory_space<vmem>>) semaphore(%arg18 : memref<!tpu.dma_semaphore, #tpu.memory_space<semaphore_mem>>)
      %dma_wait3A_124 = arith.constant 0 : i32
      %dma_wait3A_125 = arith.constant 0 : i32
      %dma_wait3A_126 = tpu.memref_slice %arg2[%dma_wait3A_124, %dma_wait3A_125] : memref<10000x128xf32, #tpu.memory_space<hbm>> -> memref<10000x128xf32, #tpu.memory_space<hbm>>
      tpu.wait_indirect_dma semaphore(%arg18 : memref<!tpu.dma_semaphore, #tpu.memory_space<semaphore_mem>>) src(%dma_wait3A_126 : memref<10000x128xf32, #tpu.memory_space<hbm>>) dst(%arg13 : memref<128x128xf32, #tpu.memory_space<vmem>>)
      %dma_start3A_127 = arith.constant 0 : i32
      %dma_start3A_128 = arith.constant 0 : i32
      %dma_start3A_129 = tpu.memref_slice %arg7[%dma_start3A_127, %dma_start3A_128] : memref<10240x128xf32, #tpu.memory_space<vmem_shared>> -> memref<10240x128xf32, #tpu.memory_space<vmem_shared>>
      tpu.enqueue_indirect_dma source(%arg13 : memref<128x128xf32, #tpu.memory_space<vmem>>) target(%dma_start3A_129 : memref<10240x128xf32, #tpu.memory_space<vmem_shared>>) offsets(%arg11 : memref<128xi32, #tpu.memory_space<vmem>>) semaphore(%arg19 : memref<!tpu.dma_semaphore, #tpu.memory_space<semaphore_mem>>) {add = true}
      %dma_wait3A_130 = arith.constant 0 : i32
      %dma_wait3A_131 = arith.constant 0 : i32
      %dma_wait3A_132 = tpu.memref_slice %arg7[%dma_wait3A_130, %dma_wait3A_131] : memref<10240x128xf32, #tpu.memory_space<vmem_shared>> -> memref<10240x128xf32, #tpu.memory_space<vmem_shared>>
      tpu.wait_indirect_dma semaphore(%arg19 : memref<!tpu.dma_semaphore, #tpu.memory_space<semaphore_mem>>) src(%arg12 : memref<128x128xf32, #tpu.memory_space<vmem>>) dst(%dma_wait3A_132 : memref<10240x128xf32, #tpu.memory_space<vmem_shared>>)
      %dma_start3A_133 = arith.constant 0 : i32
      %dma_start3A_134 = tpu.memref_slice %arg3[%min3A, %dma_start3A_133] : memref<2560x128xi32, #tpu.memory_space<hbm>> -> memref<1x128xi32, #tpu.memory_space<hbm>>
      %dma_start3A_135 = tpu.memref_squeeze %dma_start3A_134 : memref<1x128xi32, #tpu.memory_space<hbm>> -> memref<128xi32, #tpu.memory_space<hbm>>
      %dma_start3A_136 = arith.constant 0 : i32
      %dma_start3A_137 = tpu.memref_slice %arg3[%min3A, %dma_start3A_136] : memref<2560x128xi32, #tpu.memory_space<hbm>> -> memref<1x128xi32, #tpu.memory_space<hbm>>
      %dma_start3A_138 = tpu.memref_squeeze %dma_start3A_137 : memref<1x128xi32, #tpu.memory_space<hbm>> -> memref<128xi32, #tpu.memory_space<hbm>>
      tpu.enqueue_dma source(%dma_start3A_138 : memref<128xi32, #tpu.memory_space<hbm>>) target(%arg8 : memref<128xi32, #tpu.memory_space<vmem>>) target_semaphore(%arg14 : memref<!tpu.dma_semaphore, #tpu.memory_space<semaphore_mem>>)
      %dma_start3A_139 = arith.constant 0 : i32
      %dma_start3A_140 = tpu.memref_slice %arg4[%min3A, %dma_start3A_139] : memref<2560x128xi32, #tpu.memory_space<hbm>> -> memref<1x128xi32, #tpu.memory_space<hbm>>
      %dma_start3A_141 = tpu.memref_squeeze %dma_start3A_140 : memref<1x128xi32, #tpu.memory_space<hbm>> -> memref<128xi32, #tpu.memory_space<hbm>>
      %dma_start3A_142 = arith.constant 0 : i32
      %dma_start3A_143 = tpu.memref_slice %arg4[%min3A, %dma_start3A_142] : memref<2560x128xi32, #tpu.memory_space<hbm>> -> memref<1x128xi32, #tpu.memory_space<hbm>>
      %dma_start3A_144 = tpu.memref_squeeze %dma_start3A_143 : memref<1x128xi32, #tpu.memory_space<hbm>> -> memref<128xi32, #tpu.memory_space<hbm>>
      tpu.enqueue_dma source(%dma_start3A_144 : memref<128xi32, #tpu.memory_space<hbm>>) target(%arg10 : memref<128xi32, #tpu.memory_space<vmem>>) target_semaphore(%arg16 : memref<!tpu.dma_semaphore, #tpu.memory_space<semaphore_mem>>)
      %dma_wait3A_145 = arith.constant 0 : i32
      %dma_wait3A_146 = arith.constant 0 : i32
      %dma_wait3A_147 = tpu.memref_slice %arg7[%dma_wait3A_145, %dma_wait3A_146] : memref<10240x128xf32, #tpu.memory_space<vmem_shared>> -> memref<10240x128xf32, #tpu.memory_space<vmem_shared>>
      tpu.wait_indirect_dma semaphore(%arg19 : memref<!tpu.dma_semaphore, #tpu.memory_space<semaphore_mem>>) src(%arg13 : memref<128x128xf32, #tpu.memory_space<vmem>>) dst(%dma_wait3A_147 : memref<10240x128xf32, #tpu.memory_space<vmem_shared>>)
    }
    %dma_wait3A = arith.constant 0 : i32
    %dma_wait3A_52 = tpu.memref_slice %arg3[%select_n3A_8, %dma_wait3A] : memref<2560x128xi32, #tpu.memory_space<hbm>> -> memref<1x128xi32, #tpu.memory_space<hbm>>
    %dma_wait3A_53 = tpu.memref_squeeze %dma_wait3A_52 : memref<1x128xi32, #tpu.memory_space<hbm>> -> memref<128xi32, #tpu.memory_space<hbm>>
    %dma_wait3A_54 = arith.constant 0 : i32
    %dma_wait3A_55 = tpu.memref_slice %arg3[%select_n3A_8, %dma_wait3A_54] : memref<2560x128xi32, #tpu.memory_space<hbm>> -> memref<1x128xi32, #tpu.memory_space<hbm>>
    %dma_wait3A_56 = tpu.memref_squeeze %dma_wait3A_55 : memref<1x128xi32, #tpu.memory_space<hbm>> -> memref<128xi32, #tpu.memory_space<hbm>>
    tpu.wait_dma2 semaphore(%arg14 : memref<!tpu.dma_semaphore, #tpu.memory_space<semaphore_mem>>) src(%dma_wait3A_56 : memref<128xi32, #tpu.memory_space<hbm>>) dst(%arg8 : memref<128xi32, #tpu.memory_space<vmem>>)
    %dma_wait3A_57 = arith.constant 0 : i32
    %dma_wait3A_58 = tpu.memref_slice %arg4[%select_n3A_8, %dma_wait3A_57] : memref<2560x128xi32, #tpu.memory_space<hbm>> -> memref<1x128xi32, #tpu.memory_space<hbm>>
    %dma_wait3A_59 = tpu.memref_squeeze %dma_wait3A_58 : memref<1x128xi32, #tpu.memory_space<hbm>> -> memref<128xi32, #tpu.memory_space<hbm>>
    %dma_wait3A_60 = arith.constant 0 : i32
    %dma_wait3A_61 = tpu.memref_slice %arg4[%select_n3A_8, %dma_wait3A_60] : memref<2560x128xi32, #tpu.memory_space<hbm>> -> memref<1x128xi32, #tpu.memory_space<hbm>>
    %dma_wait3A_62 = tpu.memref_squeeze %dma_wait3A_61 : memref<1x128xi32, #tpu.memory_space<hbm>> -> memref<128xi32, #tpu.memory_space<hbm>>
    tpu.wait_dma2 semaphore(%arg16 : memref<!tpu.dma_semaphore, #tpu.memory_space<semaphore_mem>>) src(%dma_wait3A_62 : memref<128xi32, #tpu.memory_space<hbm>>) dst(%arg10 : memref<128xi32, #tpu.memory_space<vmem>>)
    %barrier3A_63 = arith.constant 0 : index
    tpu.barrier barrier_id(%barrier3A_63)
    %mul3A_64 = arith.constant 640 : i32
    %mul3A_65 = arith.muli %arg1, %mul3A_64 : i32
    %mul3A_66 = arith.constant 640 : i32
    %mul3A_67 = arith.muli %arg1, %mul3A_66 : i32
    "tpu.region"() ({
      %run_scoped3A = tpu.sem_alloc : memref<!tpu.dma_semaphore, #tpu.memory_space<semaphore_mem>>
      %dma_start3A_68 = arith.constant 0 : i32
      %dma_start3A_69 = tpu.memref_slice %arg6[%arg0, %mul3A_67, %dma_start3A_68] : memref<2x10240x128xf32, #tpu.memory_space<hbm>> -> memref<1x640x128xf32, #tpu.memory_space<hbm>>
      %dma_start3A_70 = tpu.memref_squeeze %dma_start3A_69 : memref<1x640x128xf32, #tpu.memory_space<hbm>> -> memref<640x128xf32, #tpu.memory_space<hbm>>
      %dma_start3A_71 = arith.constant 0 : i32
      %dma_start3A_72 = tpu.memref_slice %arg7[%mul3A_65, %dma_start3A_71] : memref<10240x128xf32, #tpu.memory_space<vmem_shared>> -> memref<640x128xf32, #tpu.memory_space<vmem_shared>>
      tpu.enqueue_dma source(%dma_start3A_72 : memref<640x128xf32, #tpu.memory_space<vmem_shared>>) target(%dma_start3A_70 : memref<640x128xf32, #tpu.memory_space<hbm>>) target_semaphore(%run_scoped3A : memref<!tpu.dma_semaphore, #tpu.memory_space<semaphore_mem>>)
      %dma_wait3A_73 = arith.constant 0 : i32
      %dma_wait3A_74 = tpu.memref_slice %arg6[%arg0, %mul3A_67, %dma_wait3A_73] : memref<2x10240x128xf32, #tpu.memory_space<hbm>> -> memref<1x640x128xf32, #tpu.memory_space<hbm>>
      %dma_wait3A_75 = tpu.memref_squeeze %dma_wait3A_74 : memref<1x640x128xf32, #tpu.memory_space<hbm>> -> memref<640x128xf32, #tpu.memory_space<hbm>>
      %dma_wait3A_76 = arith.constant 0 : i32
      %dma_wait3A_77 = tpu.memref_slice %arg7[%mul3A_65, %dma_wait3A_76] : memref<10240x128xf32, #tpu.memory_space<vmem_shared>> -> memref<640x128xf32, #tpu.memory_space<vmem_shared>>
      tpu.wait_dma2 semaphore(%run_scoped3A : memref<!tpu.dma_semaphore, #tpu.memory_space<semaphore_mem>>) src(%dma_wait3A_77 : memref<640x128xf32, #tpu.memory_space<vmem_shared>>) dst(%dma_wait3A_75 : memref<640x128xf32, #tpu.memory_space<hbm>>)
      tpu.yield
    }) : () -> ()
    return
  }
}

module attributes {stable_mosaic.version = 14 : i64} {
  func.func @_tc_scale_body(%arg0: i32, %arg1: memref<1x1000x1xf32, #tpu.memory_space<vmem>>, %arg2: memref<1x1000x1xf32, #tpu.memory_space<vmem>>, %arg3: memref<1000x128xf32, #tpu.memory_space<vmem>>, %arg4: memref<1000x1xf32, #tpu.memory_space<vmem>>, %arg5: memref<1000x128xf32, #tpu.memory_space<vmem>>) attributes {dimension_semantics = [#tpu.dimension_semantics<arbitrary>], iteration_bounds = array<i64: 10>, scalar_prefetch = 0 : i64, scratch_operands = 0 : i64, tpu.core_type = #tpu.core_type<tc>, window_params = [{transform_indices = @transform_0, window_bounds = array<i64: 1, 1000, 1>}, {transform_indices = @transform_1, window_bounds = array<i64: 1, 1000, 1>}, {transform_indices = @transform_2, window_bounds = array<i64: 1000, 128>}, {transform_indices = @transform_3, window_bounds = array<i64: 1000, 1>}, {transform_indices = @transform_4, window_bounds = array<i64: 1000, 128>}]} {
    %get3A = arith.constant 0 : index
    %get3A_0 = arith.constant 0 : index
    %get3A_1 = arith.constant 0 : index
    %get3A_2 = vector.load %arg1[%get3A, %get3A_0, %get3A_1] : memref<1x1000x1xf32, #tpu.memory_space<vmem>>, vector<1x1000x1xf32>
    %get3A_3 = vector.shape_cast %get3A_2 : vector<1x1000x1xf32> to vector<1000x1xf32>
    %get3A_4 = arith.constant 0 : index
    %get3A_5 = arith.constant 0 : index
    %get3A_6 = arith.constant 0 : index
    %get3A_7 = vector.load %arg2[%get3A_4, %get3A_5, %get3A_6] : memref<1x1000x1xf32, #tpu.memory_space<vmem>>, vector<1x1000x1xf32>
    %get3A_8 = vector.shape_cast %get3A_7 : vector<1x1000x1xf32> to vector<1000x1xf32>
    %add3A = arith.addf %get3A_3, %get3A_8 : vector<1000x1xf32>
    %add3A_9 = arith.constant 1.000000e+00 : f32
    %add3A_10 = vector.broadcast %add3A_9 : f32 to vector<1000x1xf32>
    %add3A_11 = arith.addf %add3A, %add3A_10 : vector<1000x1xf32>
    %rsqrt3A = math.rsqrt %add3A_11 : vector<1000x1xf32>
    %swap3A = arith.constant 0 : index
    %swap3A_12 = arith.constant 0 : index
    %swap3A_13 = vector.load %arg4[%swap3A, %swap3A_12] : memref<1000x1xf32, #tpu.memory_space<vmem>>, vector<1000x1xf32>
    tpu.vector_store %arg4[%swap3A, %swap3A_12], %rsqrt3A {strides = array<i32>} : memref<1000x1xf32, #tpu.memory_space<vmem>>, vector<1000x1xf32>,
    %get3A_14 = arith.constant 0 : index
    %get3A_15 = arith.constant 0 : index
    %get3A_16 = vector.load %arg3[%get3A_14, %get3A_15] : memref<1000x128xf32, #tpu.memory_space<vmem>>, vector<1000x128xf32>
    %mul3A = vector.broadcast %rsqrt3A : vector<1000x1xf32> to vector<1000x128xf32>
    %mul3A_17 = arith.mulf %mul3A, %get3A_16 : vector<1000x128xf32>
    %swap3A_18 = arith.constant 0 : index
    %swap3A_19 = arith.constant 0 : index
    %swap3A_20 = vector.load %arg5[%swap3A_18, %swap3A_19] : memref<1000x128xf32, #tpu.memory_space<vmem>>, vector<1000x128xf32>
    tpu.vector_store %arg5[%swap3A_18, %swap3A_19], %mul3A_17 {strides = array<i32>} : memref<1000x128xf32, #tpu.memory_space<vmem>>, vector<1000x128xf32>,
    return
  }
  func.func @transform_0(%arg0: i32) -> (i32, i32, i32) {
    %c0_i32 = arith.constant 0 : i32
    %c0_i32_0 = arith.constant 0 : i32
    %c0_i32_1 = arith.constant 0 : i32
    return %c0_i32, %arg0, %c0_i32_0 : i32, i32, i32
  }
  func.func @transform_1(%arg0: i32) -> (i32, i32, i32) {
    %c1_i32 = arith.constant 1 : i32
    %c0_i32 = arith.constant 0 : i32
    %c0_i32_0 = arith.constant 0 : i32
    return %c1_i32, %arg0, %c0_i32 : i32, i32, i32
  }
  func.func @transform_2(%arg0: i32) -> (i32, i32) {
    %c0_i32 = arith.constant 0 : i32
    %c0_i32_0 = arith.constant 0 : i32
    return %arg0, %c0_i32 : i32, i32
  }
  func.func @transform_3(%arg0: i32) -> (i32, i32) {
    %c0_i32 = arith.constant 0 : i32
    %c0_i32_0 = arith.constant 0 : i32
    return %arg0, %c0_i32 : i32, i32
  }
  func.func @transform_4(%arg0: i32) -> (i32, i32) {
    %c0_i32 = arith.constant 0 : i32
    %c0_i32_0 = arith.constant 0 : i32
    return %arg0, %c0_i32 : i32, i32
  }
}

module attributes {stable_mosaic.version = 14 : i64} {
  func.func @_tc_mm1_body(%arg0: i32, %arg1: memref<1000x128xf32, #tpu.memory_space<vmem>>, %arg2: memref<128x128xf32, #tpu.memory_space<vmem>>, %arg3: memref<1000x128xf32, #tpu.memory_space<vmem>>) attributes {dimension_semantics = [#tpu.dimension_semantics<arbitrary>], iteration_bounds = array<i64: 10>, scalar_prefetch = 0 : i64, scratch_operands = 0 : i64, tpu.core_type = #tpu.core_type<tc>, window_params = [{transform_indices = @transform_0, window_bounds = array<i64: 1000, 128>}, {pipeline_mode = #tpu.pipeline_mode<synchronous>, transform_indices = @transform_1, window_bounds = array<i64: 128, 128>}, {transform_indices = @transform_2, window_bounds = array<i64: 1000, 128>}]} {
    %get3A = arith.constant 0 : index
    %get3A_0 = arith.constant 0 : index
    %get3A_1 = vector.load %arg1[%get3A, %get3A_0] : memref<1000x128xf32, #tpu.memory_space<vmem>>, vector<1000x128xf32>
    %get3A_2 = arith.constant 0 : index
    %get3A_3 = arith.constant 0 : index
    %get3A_4 = vector.load %arg2[%get3A_2, %get3A_3] : memref<128x128xf32, #tpu.memory_space<vmem>>, vector<128x128xf32>
    %dot_general3A = arith.constant dense<0.000000e+00> : vector<1000x128xf32>
    %dot_general3A_5 = tpu.matmul %get3A_1, %get3A_4, %dot_general3A {dimension_numbers = #tpu.dot_dimension_numbers<[1], [0], [0], [1], [0, 0, 1, 1], [], []>, transpose_lhs_hint = false} : vector<1000x128xf32>, vector<128x128xf32>, vector<1000x128xf32> -> vector<1000x128xf32>
    %swap3A = arith.constant 0 : index
    %swap3A_6 = arith.constant 0 : index
    %swap3A_7 = vector.load %arg3[%swap3A, %swap3A_6] : memref<1000x128xf32, #tpu.memory_space<vmem>>, vector<1000x128xf32>
    tpu.vector_store %arg3[%swap3A, %swap3A_6], %dot_general3A_5 {strides = array<i32>} : memref<1000x128xf32, #tpu.memory_space<vmem>>, vector<1000x128xf32>,
    return
  }
  func.func @transform_0(%arg0: i32) -> (i32, i32) {
    %c0_i32 = arith.constant 0 : i32
    %c0_i32_0 = arith.constant 0 : i32
    return %arg0, %c0_i32 : i32, i32
  }
  func.func @transform_1(%arg0: i32) -> (i32, i32) {
    %c0_i32 = arith.constant 0 : i32
    %c0_i32_0 = arith.constant 0 : i32
    %c0_i32_1 = arith.constant 0 : i32
    return %c0_i32, %c0_i32_0 : i32, i32
  }
  func.func @transform_2(%arg0: i32) -> (i32, i32) {
    %c0_i32 = arith.constant 0 : i32
    %c0_i32_0 = arith.constant 0 : i32
    return %arg0, %c0_i32 : i32, i32
  }
}

module attributes {stable_mosaic.version = 14 : i64} {
  func.func @_tc_mid_body(%arg0: i32, %arg1: memref<1x1000x128xf32, #tpu.memory_space<vmem>>, %arg2: memref<1x1000x128xf32, #tpu.memory_space<vmem>>, %arg3: memref<1000x128xf32, #tpu.memory_space<vmem>>, %arg4: memref<1000x1xf32, #tpu.memory_space<vmem>>, %arg5: memref<1x128xf32, #tpu.memory_space<vmem>>, %arg6: memref<128x128xf32, #tpu.memory_space<vmem>>, %arg7: memref<1000x128xf32, #tpu.memory_space<vmem>>, %arg8: memref<1000x128xf32, #tpu.memory_space<vmem>>) attributes {dimension_semantics = [#tpu.dimension_semantics<arbitrary>], iteration_bounds = array<i64: 10>, scalar_prefetch = 0 : i64, scratch_operands = 0 : i64, tpu.core_type = #tpu.core_type<tc>, window_params = [{transform_indices = @transform_0, window_bounds = array<i64: 1, 1000, 128>}, {transform_indices = @transform_1, window_bounds = array<i64: 1, 1000, 128>}, {transform_indices = @transform_2, window_bounds = array<i64: 1000, 128>}, {transform_indices = @transform_3, window_bounds = array<i64: 1000, 1>}, {pipeline_mode = #tpu.pipeline_mode<synchronous>, transform_indices = @transform_4, window_bounds = array<i64: 1, 128>}, {pipeline_mode = #tpu.pipeline_mode<synchronous>, transform_indices = @transform_5, window_bounds = array<i64: 128, 128>}, {transform_indices = @transform_6, window_bounds = array<i64: 1000, 128>}, {transform_indices = @transform_7, window_bounds = array<i64: 1000, 128>}]} {
    %get3A = arith.constant 0 : index
    %get3A_0 = arith.constant 0 : index
    %get3A_1 = vector.load %arg4[%get3A, %get3A_0] : memref<1000x1xf32, #tpu.memory_space<vmem>>, vector<1000x1xf32>
    %get3A_2 = arith.constant 0 : index
    %get3A_3 = arith.constant 0 : index
    %get3A_4 = arith.constant 0 : index
    %get3A_5 = vector.load %arg1[%get3A_2, %get3A_3, %get3A_4] : memref<1x1000x128xf32, #tpu.memory_space<vmem>>, vector<1x1000x128xf32>
    %get3A_6 = vector.shape_cast %get3A_5 : vector<1x1000x128xf32> to vector<1000x128xf32>
    %get3A_7 = arith.constant 0 : index
    %get3A_8 = arith.constant 0 : index
    %get3A_9 = arith.constant 0 : index
    %get3A_10 = vector.load %arg2[%get3A_7, %get3A_8, %get3A_9] : memref<1x1000x128xf32, #tpu.memory_space<vmem>>, vector<1x1000x128xf32>
    %get3A_11 = vector.shape_cast %get3A_10 : vector<1x1000x128xf32> to vector<1000x128xf32>
    %add3A = arith.addf %get3A_6, %get3A_11 : vector<1000x128xf32>
    %mul3A = vector.broadcast %get3A_1 : vector<1000x1xf32> to vector<1000x128xf32>
    %mul3A_12 = arith.mulf %mul3A, %add3A : vector<1000x128xf32>
    %mul3A_13 = arith.mulf %get3A_1, %get3A_1 : vector<1000x1xf32>
    %get3A_14 = arith.constant 0 : index
    %get3A_15 = arith.constant 0 : index
    %get3A_16 = vector.load %arg3[%get3A_14, %get3A_15] : memref<1000x128xf32, #tpu.memory_space<vmem>>, vector<1000x128xf32>
    %mul3A_17 = vector.broadcast %mul3A_13 : vector<1000x1xf32> to vector<1000x128xf32>
    %mul3A_18 = arith.mulf %mul3A_17, %get3A_16 : vector<1000x128xf32>
    %add3A_19 = arith.addf %mul3A_12, %mul3A_18 : vector<1000x128xf32>
    %get3A_20 = arith.constant 0 : index
    %get3A_21 = arith.constant 0 : index
    %get3A_22 = vector.load %arg5[%get3A_20, %get3A_21] : memref<1x128xf32, #tpu.memory_space<vmem>>, vector<1x128xf32>
    %add3A_23 = vector.broadcast %get3A_22 : vector<1x128xf32> to vector<1000x128xf32>
    %add3A_24 = arith.addf %add3A_19, %add3A_23 : vector<1000x128xf32>
    %max3A = arith.constant 0.000000e+00 : f32
    %max3A_25 = vector.broadcast %max3A : f32 to vector<1000x128xf32>
    %max3A_26 = arith.maximumf %add3A_24, %max3A_25 : vector<1000x128xf32>
    %get3A_27 = arith.constant 0 : index
    %get3A_28 = arith.constant 0 : index
    %get3A_29 = vector.load %arg6[%get3A_27, %get3A_28] : memref<128x128xf32, #tpu.memory_space<vmem>>, vector<128x128xf32>
    %dot_general3A = arith.constant dense<0.000000e+00> : vector<1000x128xf32>
    %dot_general3A_30 = tpu.matmul %max3A_26, %get3A_29, %dot_general3A {dimension_numbers = #tpu.dot_dimension_numbers<[1], [0], [0], [1], [0, 0, 1, 1], [], []>, transpose_lhs_hint = false} : vector<1000x128xf32>, vector<128x128xf32>, vector<1000x128xf32> -> vector<1000x128xf32>
    %swap3A = arith.constant 0 : index
    %swap3A_31 = arith.constant 0 : index
    %swap3A_32 = vector.load %arg7[%swap3A, %swap3A_31] : memref<1000x128xf32, #tpu.memory_space<vmem>>, vector<1000x128xf32>
    tpu.vector_store %arg7[%swap3A, %swap3A_31], %dot_general3A_30 {strides = array<i32>} : memref<1000x128xf32, #tpu.memory_space<vmem>>, vector<1000x128xf32>,
    %mul3A_33 = vector.broadcast %get3A_1 : vector<1000x1xf32> to vector<1000x128xf32>
    %mul3A_34 = arith.mulf %mul3A_33, %dot_general3A_30 : vector<1000x128xf32>
    %swap3A_35 = arith.constant 0 : index
    %swap3A_36 = arith.constant 0 : index
    %swap3A_37 = vector.load %arg8[%swap3A_35, %swap3A_36] : memref<1000x128xf32, #tpu.memory_space<vmem>>, vector<1000x128xf32>
    tpu.vector_store %arg8[%swap3A_35, %swap3A_36], %mul3A_34 {strides = array<i32>} : memref<1000x128xf32, #tpu.memory_space<vmem>>, vector<1000x128xf32>,
    return
  }
  func.func @transform_0(%arg0: i32) -> (i32, i32, i32) {
    %c0_i32 = arith.constant 0 : i32
    %c0_i32_0 = arith.constant 0 : i32
    %c0_i32_1 = arith.constant 0 : i32
    return %c0_i32, %arg0, %c0_i32_0 : i32, i32, i32
  }
  func.func @transform_1(%arg0: i32) -> (i32, i32, i32) {
    %c1_i32 = arith.constant 1 : i32
    %c0_i32 = arith.constant 0 : i32
    %c0_i32_0 = arith.constant 0 : i32
    return %c1_i32, %arg0, %c0_i32 : i32, i32, i32
  }
  func.func @transform_2(%arg0: i32) -> (i32, i32) {
    %c0_i32 = arith.constant 0 : i32
    %c0_i32_0 = arith.constant 0 : i32
    return %arg0, %c0_i32 : i32, i32
  }
  func.func @transform_3(%arg0: i32) -> (i32, i32) {
    %c0_i32 = arith.constant 0 : i32
    %c0_i32_0 = arith.constant 0 : i32
    return %arg0, %c0_i32 : i32, i32
  }
  func.func @transform_4(%arg0: i32) -> (i32, i32) {
    %c0_i32 = arith.constant 0 : i32
    %c0_i32_0 = arith.constant 0 : i32
    %c0_i32_1 = arith.constant 0 : i32
    return %c0_i32, %c0_i32_0 : i32, i32
  }
  func.func @transform_5(%arg0: i32) -> (i32, i32) {
    %c0_i32 = arith.constant 0 : i32
    %c0_i32_0 = arith.constant 0 : i32
    %c0_i32_1 = arith.constant 0 : i32
    return %c0_i32, %c0_i32_0 : i32, i32
  }
  func.func @transform_6(%arg0: i32) -> (i32, i32) {
    %c0_i32 = arith.constant 0 : i32
    %c0_i32_0 = arith.constant 0 : i32
    return %arg0, %c0_i32 : i32, i32
  }
  func.func @transform_7(%arg0: i32) -> (i32, i32) {
    %c0_i32 = arith.constant 0 : i32
    %c0_i32_0 = arith.constant 0 : i32
    return %arg0, %c0_i32 : i32, i32
  }
}

module attributes {stable_mosaic.version = 14 : i64} {
  func.func @_tc_fin_body(%arg0: i32, %arg1: memref<1x1000x128xf32, #tpu.memory_space<vmem>>, %arg2: memref<1x1000x128xf32, #tpu.memory_space<vmem>>, %arg3: memref<1000x128xf32, #tpu.memory_space<vmem>>, %arg4: memref<1000x1xf32, #tpu.memory_space<vmem>>, %arg5: memref<1x128xf32, #tpu.memory_space<vmem>>, %arg6: memref<128x64xf32, #tpu.memory_space<vmem>>, %arg7: memref<1x64xf32, #tpu.memory_space<vmem>>, %arg8: memref<1000x64xf32, #tpu.memory_space<vmem>>) attributes {dimension_semantics = [#tpu.dimension_semantics<arbitrary>], iteration_bounds = array<i64: 10>, scalar_prefetch = 0 : i64, scratch_operands = 0 : i64, tpu.core_type = #tpu.core_type<tc>, window_params = [{transform_indices = @transform_0, window_bounds = array<i64: 1, 1000, 128>}, {transform_indices = @transform_1, window_bounds = array<i64: 1, 1000, 128>}, {transform_indices = @transform_2, window_bounds = array<i64: 1000, 128>}, {transform_indices = @transform_3, window_bounds = array<i64: 1000, 1>}, {pipeline_mode = #tpu.pipeline_mode<synchronous>, transform_indices = @transform_4, window_bounds = array<i64: 1, 128>}, {pipeline_mode = #tpu.pipeline_mode<synchronous>, transform_indices = @transform_5, window_bounds = array<i64: 128, 64>}, {pipeline_mode = #tpu.pipeline_mode<synchronous>, transform_indices = @transform_6, window_bounds = array<i64: 1, 64>}, {transform_indices = @transform_7, window_bounds = array<i64: 1000, 64>}]} {
    %get3A = arith.constant 0 : index
    %get3A_0 = arith.constant 0 : index
    %get3A_1 = vector.load %arg4[%get3A, %get3A_0] : memref<1000x1xf32, #tpu.memory_space<vmem>>, vector<1000x1xf32>
    %get3A_2 = arith.constant 0 : index
    %get3A_3 = arith.constant 0 : index
    %get3A_4 = arith.constant 0 : index
    %get3A_5 = vector.load %arg1[%get3A_2, %get3A_3, %get3A_4] : memref<1x1000x128xf32, #tpu.memory_space<vmem>>, vector<1x1000x128xf32>
    %get3A_6 = vector.shape_cast %get3A_5 : vector<1x1000x128xf32> to vector<1000x128xf32>
    %get3A_7 = arith.constant 0 : index
    %get3A_8 = arith.constant 0 : index
    %get3A_9 = arith.constant 0 : index
    %get3A_10 = vector.load %arg2[%get3A_7, %get3A_8, %get3A_9] : memref<1x1000x128xf32, #tpu.memory_space<vmem>>, vector<1x1000x128xf32>
    %get3A_11 = vector.shape_cast %get3A_10 : vector<1x1000x128xf32> to vector<1000x128xf32>
    %add3A = arith.addf %get3A_6, %get3A_11 : vector<1000x128xf32>
    %mul3A = vector.broadcast %get3A_1 : vector<1000x1xf32> to vector<1000x128xf32>
    %mul3A_12 = arith.mulf %mul3A, %add3A : vector<1000x128xf32>
    %mul3A_13 = arith.mulf %get3A_1, %get3A_1 : vector<1000x1xf32>
    %get3A_14 = arith.constant 0 : index
    %get3A_15 = arith.constant 0 : index
    %get3A_16 = vector.load %arg3[%get3A_14, %get3A_15] : memref<1000x128xf32, #tpu.memory_space<vmem>>, vector<1000x128xf32>
    %mul3A_17 = vector.broadcast %mul3A_13 : vector<1000x1xf32> to vector<1000x128xf32>
    %mul3A_18 = arith.mulf %mul3A_17, %get3A_16 : vector<1000x128xf32>
    %add3A_19 = arith.addf %mul3A_12, %mul3A_18 : vector<1000x128xf32>
    %get3A_20 = arith.constant 0 : index
    %get3A_21 = arith.constant 0 : index
    %get3A_22 = vector.load %arg5[%get3A_20, %get3A_21] : memref<1x128xf32, #tpu.memory_space<vmem>>, vector<1x128xf32>
    %add3A_23 = vector.broadcast %get3A_22 : vector<1x128xf32> to vector<1000x128xf32>
    %add3A_24 = arith.addf %add3A_19, %add3A_23 : vector<1000x128xf32>
    %max3A = arith.constant 0.000000e+00 : f32
    %max3A_25 = vector.broadcast %max3A : f32 to vector<1000x128xf32>
    %max3A_26 = arith.maximumf %add3A_24, %max3A_25 : vector<1000x128xf32>
    %get3A_27 = arith.constant 0 : index
    %get3A_28 = arith.constant 0 : index
    %get3A_29 = vector.load %arg6[%get3A_27, %get3A_28] : memref<128x64xf32, #tpu.memory_space<vmem>>, vector<128x64xf32>
    %dot_general3A = arith.constant dense<0.000000e+00> : vector<1000x64xf32>
    %dot_general3A_30 = tpu.matmul %max3A_26, %get3A_29, %dot_general3A {dimension_numbers = #tpu.dot_dimension_numbers<[1], [0], [0], [1], [0, 0, 1, 1], [], []>, transpose_lhs_hint = false} : vector<1000x128xf32>, vector<128x64xf32>, vector<1000x64xf32> -> vector<1000x64xf32>
    %get3A_31 = arith.constant 0 : index
    %get3A_32 = arith.constant 0 : index
    %get3A_33 = vector.load %arg7[%get3A_31, %get3A_32] : memref<1x64xf32, #tpu.memory_space<vmem>>, vector<1x64xf32>
    %add3A_34 = vector.broadcast %get3A_33 : vector<1x64xf32> to vector<1000x64xf32>
    %add3A_35 = arith.addf %dot_general3A_30, %add3A_34 : vector<1000x64xf32>
    %reduce_max3A = arith.constant dense<0xFF800000> : vector<1000xf32>
    %reduce_max3A_36 = vector.multi_reduction <maximumf>, %add3A_35, %reduce_max3A [1] : vector<1000x64xf32> to vector<1000xf32>
    %broadcast_in_dim3A = vector.shape_cast %reduce_max3A_36 : vector<1000xf32> to vector<1000x1xf32>
    %sub3A = vector.broadcast %broadcast_in_dim3A : vector<1000x1xf32> to vector<1000x64xf32>
    %sub3A_37 = arith.subf %add3A_35, %sub3A : vector<1000x64xf32>
    %exp3A = math.exp %sub3A_37 : vector<1000x64xf32>
    %reduce_sum3A = arith.constant dense<0.000000e+00> : vector<1000xf32>
    %reduce_sum3A_38 = vector.multi_reduction <add>, %exp3A, %reduce_sum3A [1] : vector<1000x64xf32> to vector<1000xf32>
    %broadcast_in_dim3A_39 = vector.shape_cast %reduce_sum3A_38 : vector<1000xf32> to vector<1000x1xf32>
    %div3A = vector.broadcast %broadcast_in_dim3A_39 : vector<1000x1xf32> to vector<1000x64xf32>
    %div3A_40 = arith.divf %exp3A, %div3A : vector<1000x64xf32>
    %swap3A = arith.constant 0 : index
    %swap3A_41 = arith.constant 0 : index
    %swap3A_42 = vector.load %arg8[%swap3A, %swap3A_41] : memref<1000x64xf32, #tpu.memory_space<vmem>>, vector<1000x64xf32>
    tpu.vector_store %arg8[%swap3A, %swap3A_41], %div3A_40 {strides = array<i32>} : memref<1000x64xf32, #tpu.memory_space<vmem>>, vector<1000x64xf32>,
    return
  }
  func.func @transform_0(%arg0: i32) -> (i32, i32, i32) {
    %c0_i32 = arith.constant 0 : i32
    %c0_i32_0 = arith.constant 0 : i32
    %c0_i32_1 = arith.constant 0 : i32
    return %c0_i32, %arg0, %c0_i32_0 : i32, i32, i32
  }
  func.func @transform_1(%arg0: i32) -> (i32, i32, i32) {
    %c1_i32 = arith.constant 1 : i32
    %c0_i32 = arith.constant 0 : i32
    %c0_i32_0 = arith.constant 0 : i32
    return %c1_i32, %arg0, %c0_i32 : i32, i32, i32
  }
  func.func @transform_2(%arg0: i32) -> (i32, i32) {
    %c0_i32 = arith.constant 0 : i32
    %c0_i32_0 = arith.constant 0 : i32
    return %arg0, %c0_i32 : i32, i32
  }
  func.func @transform_3(%arg0: i32) -> (i32, i32) {
    %c0_i32 = arith.constant 0 : i32
    %c0_i32_0 = arith.constant 0 : i32
    return %arg0, %c0_i32 : i32, i32
  }
  func.func @transform_4(%arg0: i32) -> (i32, i32) {
    %c0_i32 = arith.constant 0 : i32
    %c0_i32_0 = arith.constant 0 : i32
    %c0_i32_1 = arith.constant 0 : i32
    return %c0_i32, %c0_i32_0 : i32, i32
  }
  func.func @transform_5(%arg0: i32) -> (i32, i32) {
    %c0_i32 = arith.constant 0 : i32
    %c0_i32_0 = arith.constant 0 : i32
    %c0_i32_1 = arith.constant 0 : i32
    return %c0_i32, %c0_i32_0 : i32, i32
  }
  func.func @transform_6(%arg0: i32) -> (i32, i32) {
    %c0_i32 = arith.constant 0 : i32
    %c0_i32_0 = arith.constant 0 : i32
    %c0_i32_1 = arith.constant 0 : i32
    return %c0_i32, %c0_i32_0 : i32, i32
  }
  func.func @transform_7(%arg0: i32) -> (i32, i32) {
    %c0_i32 = arith.constant 0 : i32
    %c0_i32_0 = arith.constant 0 : i32
    return %arg0, %c0_i32 : i32, i32
  }
}

</mosaic_0001>

<sc_bundles>
// kernel: kernel.12.cloned.1.call-start
scs
__scs_entry_jumppad:
0x0: {  	(pc) =	sbr.rel $0x88, $3  }
0x1: {  	(tag) =	ssettag $0x0;
	lr =	simm.s32 $0x1  }
0x2: {  	[smem:$0x3F99] =	sst lr;
	_ =	strace $0xD0000000  }
0x3: {  	_ = 	snop  }
0x4: {  	_ = 	snop  }
0x5: {  	_ = 	snop  }
0x6: {  	_ = 	snop  }
0x7: {  	_ = 	snop  }
__scs_overlays_trampoline_lowered:
0x8: {  	[smem:$0x3FA8] =	sst s0  }
0x9: {  	[smem:$0x3FA9] =	sst s1  }
0xa: {  	[smem:$0x3FAA] =	sst s2  }
0xb: {  	[smem:$0x3FAB] =	sst s3  }
0xc: {  	[smem:$0x3FAC] =	sst s4  }
0xd: {  	[smem:$0x3FAD] =	sst s5  }
0xe: {  	[smem:$0x3FAE] =	sst s6  }
0xf: {  	[smem:$0x3FAF] =	sst s7  }
0x10: {  	[smem:$0x3FB0] =	sst s8  }
0x11: {  	[smem:$0x3FB1] =	sst s9;
	s0 =	simm.s32 @!p0 $0x0  }
0x12: {  	s1 =	sld [smem:$0x3F97];
	s0 =	simm.s32 @p0 $0x1  }
0x13: {  	[smem:$0x3FB2] =	sst s0;
	s0 =	simm.s32 @!p1 $0x0  }
0x14: {  	s2 =	sld [smem:$0x3F96];
	s0 =	simm.s32 @p1 $0x1  }
0x15: {  	[smem:$0x3FB3] =	sst s0;
	s0 =	simm.s32 @!p2 $0x0  }
0x16: {  	s3 =	sld [smem:$0x3FDB];
	s0 =	simm.s32 @p2 $0x1  }
0x17: {  	s4 =	simm.s32 $0x1BF5;
	[smem:$0x3FB5] =	sst s0  }
0x18: {  	s0 =	sld [smem:$0x3F98];
	_ =	swait.ge [sflag:s4], $0x0  }
0x19: {  	s7 =	sld [smem:$0x3F99]  }
0x1a: {  	s8 =	sadd.s32 $0xFFFFE003, lr  }
0x1b: {  	s9 =	sadd.s32 $0xFFFFFEF7, lr;
	s5 =	simm.s32 $0xFFFFFFFF;
	p2 =	slt.u32 s8, $0xFFFFF086  }
0x1c: {  	p1 =	slt.u32 s9, $0xF7A;
	s5 =	simm.s32 @!p2 $0x0  }
0x1d: {  	s5 =	simm.s32 @p1 $0x1;
	p0 =	seq.s32 s7, s2  }
0x1e: {  	s7 =	smul.u32 @!p0 $0xF7A, s2;
	p2 =	seq.s32 @!p0 s5, $0x0  }
0x1f: {  	s9 =	smul.u32 $0xF7A, s1;
	s8 =	simm.s32 @!p0 $0x1BF5;
	p2 =	por !p2, p0  }
0x20: {  	[sflag:s8] =	ssyncset.s32 @!p0 $0xFFFFF086;
	s6 =	sadd.s32 @!p0 s3, s7;
	s7 =	simm.s32 @!p0 $0x108  }
0x21: {  	s3 =	sadd.s32 s3, s9;
	s6 =	sadd.s32 @!p0 $0x88, s6;
	s7 =	simm.s32 @p2 $0x1082  }
0x22: {  	[simem:s7], [sflag:s8] =	dma.local @!p0 [hbm:s6], $0xF7A  }
0x23: {  	s9 =	sor.u32 $0xD0000000, s2;
	s6 =	simm.s32 $0x108;
	_ =	swait.ge @!p0 [sflag:s8], $0x0  }
0x24: {  	s3 =	sadd.s32 $0x88, s3;
	s6 =	simm.s32 @!p1 $0x1082;
	[sflag:s4] =	ssyncset.s32 $0xFFFFF086  }
0x25: {  	[simem:s6], [sflag:s4] =	dma.local [hbm:s3], $0xF7A  }
0x26: {  	[smem:$0x3F99] =	sst s1;
	(tag) =	ssettag s2;
	_ =	strace s9  }
0x27: {  	s1 =	sld [smem:$0x3FA9]  }
0x28: {  	s2 =	sld [smem:$0x3FAA]  }
0x29: {  	s4 =	sld [smem:$0x3FAC]  }
0x2a: {  	p0 =	seq.s32 s5, $0x0;
	s5 =	sld [smem:$0x3FAD]  }
0x2b: {  	s6 =	sld [smem:$0x3FAE]  }
0x2c: {  	s7 =	sld [smem:$0x3FAF]  }
0x2d: {  	s3 =	simm.s32 $0x108;
	s8 =	sld [smem:$0x3FB0]  }
0x2e: {  	s3 =	simm.s32 @!p0 $0x1082;
	s9 =	sld [smem:$0x3FB1]  }
0x2f: {  	lr =	sadd.s32 s0, s3;
	s0 =	sld [smem:$0x3FA8]  }
0x30: {  	s3 =	sld [smem:$0x3FAB]  }
0x31: {  	[smem:$0x3FB4] =	sst s10  }
0x32: {  	s10 =	sld [smem:$0x3FB2];
	_ =	sdelay $0x3  }
0x33: {  	p0 =	seq.s32 s10, $0x1;
	s10 =	sld [smem:$0x3FB4];
	_ =	sdelay $0x3  }
0x34: {  	[smem:$0x3FB4] =	sst s10  }
0x35: {  	s10 =	sld [smem:$0x3FB3];
	_ =	sdelay $0x3  }
0x36: {  	p1 =	seq.s32 s10, $0x1;
	s10 =	sld [smem:$0x3FB4];
	_ =	sdelay $0x3  }
0x37: {  	[smem:$0x3FB4] =	sst s10  }
0x38: {  	s10 =	sld [smem:$0x3FB5]  }
0x39: {  	_ = 	snop;
	(pc) =	sbr.ind lr, $3  }
0x3a: {  	_ = 	snop  }
0x3b: {  	_ = 	snop  }
0x3c: {  	p2 =	seq.s32 s10, $0x1;
	s10 =	sld [smem:$0x3FB4]  }
0x3d: {  	_ =	shalt  }
0x3e: {  	_ =	shalt  }
0x3f: {  	_ =	shalt  }
0x40: {  	_ =	shalt  }
0x41: {  	_ =	shalt  }
0x42: {  	_ =	shalt  }
0x43: {  	_ =	shalt  }
0x44: {  	_ =	shalt  }
0x45: {  	_ =	shalt  }
0x46: {  	_ =	shalt  }
0x47: {  	_ =	shalt  }
0x48: {  	_ =	shalt  }
0x49: {  	_ =	shalt  }
0x4a: {  	_ =	shalt  }
0x4b: {  	_ =	shalt  }
0x4c: {  	_ =	shalt  }
0x4d: {  	_ =	shalt  }
0x4e: {  	_ =	shalt  }
0x4f: {  	_ =	shalt  }
0x50: {  	_ =	shalt  }
0x51: {  	_ =	shalt  }
0x52: {  	_ =	shalt  }
0x53: {  	_ =	shalt  }
0x54: {  	_ =	shalt  }
0x55: {  	_ =	shalt  }
0x56: {  	_ =	shalt  }
0x57: {  	_ =	shalt  }
0x58: {  	_ =	shalt  }
0x59: {  	_ =	shalt  }
0x5a: {  	_ =	shalt  }
0x5b: {  	_ =	shalt  }
0x5c: {  	_ =	shalt  }
0x5d: {  	_ =	shalt  }
0x5e: {  	_ =	shalt  }
0x5f: {  	_ =	shalt  }
0x60: {  	_ =	shalt  }
0x61: {  	_ =	shalt  }
0x62: {  	_ =	shalt  }
0x63: {  	_ =	shalt  }
0x64: {  	_ =	shalt  }
0x65: {  	_ =	shalt  }
0x66: {  	_ =	shalt  }
0x67: {  	_ =	shalt  }
0x68: {  	_ =	shalt  }
0x69: {  	_ =	shalt  }
0x6a: {  	_ =	shalt  }
0x6b: {  	_ =	shalt  }
0x6c: {  	_ =	shalt  }
0x6d: {  	_ =	shalt  }
0x6e: {  	_ =	shalt  }
0x6f: {  	_ =	shalt  }
0x70: {  	_ =	shalt  }
0x71: {  	_ =	shalt  }
0x72: {  	_ =	shalt  }
0x73: {  	_ =	shalt  }
0x74: {  	_ =	shalt  }
0x75: {  	_ =	shalt  }
0x76: {  	_ =	shalt  }
0x77: {  	_ =	shalt  }
0x78: {  	_ =	shalt  }
0x79: {  	_ =	shalt  }
0x7a: {  	_ =	shalt  }
0x7b: {  	_ =	shalt  }
0x7c: {  	_ =	shalt  }
0x7d: {  	_ =	shalt  }
0x7e: {  	_ =	shalt  }
0x7f: {  	_ =	shalt  }
0x80: {  	_ =	shalt  }
0x81: {  	_ =	shalt  }
0x82: {  	_ =	shalt  }
0x83: {  	_ =	shalt  }
0x84: {  	_ =	shalt  }
0x85: {  	_ =	shalt  }
0x86: {  	_ =	shalt  }
0x87: {  	_ =	shalt  }
.Lfunc_end0:
.L_simem_size_0:
called_computation.1_lowered:
.L_overlay_start_0:
0x88: {  	s2 =	sld [smem:$0x3FD9]  }
0x89: {  	s3 =	sld [smem:$0x3FFE];
	_ =	sdelay $0x1  }
0x8a: {  	s1 =	srdreg.scid  }
0x8b: {  	s0 =	sand.u32 $0x1, s1  }
0x8c: {  	s17 =	sshll.u32 s0, $0xA;
	s2 =	sadd.s32 s3, s2  }
0x8d: {  	s2 =	sadd.s32 s2, s17  }
0x8e: {  	[smem:$0x3FC0] =	sst s2  }
0x8f: {  	_ = 	snop  }
0x90: {  	s2 =	sld [smem:$0x3FD0];
	(tm) =	ssettm $0x1  }
0x91: {  	s18 =	sld [smem:$0x3FFB];
	_ =	sdelay $0x3  }
0x92: {  	_ =	strace s18  }
0x93: {  	s3 =	sld [smem:$0x3FFC];
	_ =	sdelay $0x3  }
0x94: {  	_ =	strace s3  }
0x95: {  	s3 =	sld [smem:$0x3FFD];
	_ =	sdelay $0x3  }
0x96: {  	_ =	strace s3  }
0x97: {  	_ =	strace $0x8FFFFFFF  }
0x98: {  	s19 =	sld [smem:$0x3FDB];
	_ =	sdelay $0x1  }
0x99: {  	s4 =	simm.s32 $_scs_section_size  }
0x9a: {  	s5 =	simm.s32 $_size__tile_overlayer_lowered;
	s6 =	simm.s32 $_tile_overlayer_lowered  }
0x9b: {  	s22 =	simm.s32 $0x1BFF;
	s21 =	sshll.u32 s6, $0x1;
	s3 =	sadd.s32 s4, s19  }
0x9c: {  	s7 =	simm.s32 $0x0;
	s20 =	sshll.u32 s5, $0x1;
	s5 =	sadd.s32 s21, s3  }
0x9d: {  	[timem:s7], [sflag:s22] =	dma.local [hbm:s5], s20  }
0x9e: {  	_ =	swait.ge [sflag:s22], s20  }
0x9f: {  	s4 =	ssub.s32 $0x0, s20;
	[sflag:s22] =	ssyncset.done $0x0  }
0xa0: {  	[sflag:s22] =	ssyncadd.s32 s4;
	_ =	sdelay $0x1  }
0xa1: {  	s23 =	simm.s32 $0x1B8B  }
0xa2: {  	_ =	swait.ge [sflag:s23], $0x1  }
0xa3: {  	[sflag:s23] =	ssyncset.done $0x0  }
0xa4: {  	s25 =	simm.s32 $0x1B8E;
	s24 =	sld [smem:$0x3FFE];
	[sflag:s23] =	ssyncadd.s32 $0xFFFFFFFF  }
0xa5: {  	s26 =	simm.s32 $execute0_lowered;
	[smem:$0x3FD2] =	sst s25  }
0xa6: {  	s5 =	sshll.u32 s26, $0x1;
	_ =	strace $0x80000049;
	[dreg:$0x1] =	wrdreg $0xFFFFFFFF  }
0xa7: {  	s28 =	simm.s32 $_size_execute0_lowered;
	s3 =	sadd.s32 s3, s5;
	[dreg:$0x0] =	wrdreg $0x0  }
0xa8: {  	s5 =	sshll.u32 s28, $0x1;
	[dreg:$0x2] =	wrdreg s3  }
0xa9: {  	[dreg:$0x3] =	wrdreg s5  }
0xaa: {  	[dreg:$0x4] =	wrdreg $0xC0  }
0xab: {  	_ =	task [dreg:s7], $0x5FFFF  }
0xac: {  	[dreg:$0x1] =	wrdreg $0xFFFFFFFF  }
0xad: {  	[dreg:$0x0] =	wrdreg $0x60  }
0xae: {  	[dreg:$0x2] =	wrdreg s24  }
0xaf: {  	[dreg:$0x3] =	wrdreg s2  }
0xb0: {  	[dreg:$0x4] =	wrdreg $0x0  }
0xb1: {  	[dreg:$0x5] =	wrdreg $0x9  }
0xb2: {  	_ =	task.clear_ibuf [dreg:s7], $0x6FFFF;
	_ =	strace $0x90000049  }
0xb3: {  	s29 =	simm.s32 $0x9;
	_ =	strace $0x8000004B  }
0xb4: {  	_ =	swait.ge [sflag:s29], $0x1  }
0xb5: {  	[sflag:s29] =	ssyncadd.s32 $0xFFFFFFFF  }
0xb6: {  	_ =	strace $0x9000004B  }
0xb7: {  	_ =	sfence  }
0xb8: {  	s30 =	sld [smem:$0x0];
	_ =	sdelay $0x2  }
0xb9: {  	s31 =	sshll.u32 s1, $0xD;
	s1 =	sshrl.u32 s1, $0x2  }
0xba: {  	s3 =	sand.u32 $0x4000, s31;
	s1 =	sadd.s32 s1, s30  }
0xbb: {  	s0 =	sor.u32 s3, s0;
	s1 =	sshll.u32 s1, $0x11  }
0xbc: {  	s0 =	sor.u32 s1, s0  }
0xbd: {  	s0 =	sadd.s32 $0x8F2B, s0  }
0xbe: {  	[sflag:s0] =	ssyncadd.remote.s32 $0x1  }
0xbf: {  	_ =	sfence.sel $0xFFFF  }
0xc0: {  	[dreg:$0x0] =	wrdreg $0xFFFFFFFF;
	(pc) =	sbr.abs _section_cstart, $3  }
0xc1: {  	[dreg:$0x1] =	wrdreg $0xFFFFFFFF  }
0xc2: {  	_ =	task.clear_ibuf [dreg:s7], $0x2FFFF;
	_ =	strace $0x9FFFFFFF  }
0xc3: {  	(tm) =	ssettm $0x7FFFFFFF  }
tec
execute0_lowered:
.L_overlay_start_1:
0x0: {  	(tag) =	ssettag $0x1  }
0x1: {  	s0 =	rddreg [dreg:$0x0]  }
0x2: {  	s1 =	rddreg [dreg:$0x1]  }
0x3: {  	s2 =	rddreg [dreg:$0x2];
	s3 =	srdreg.scid  }
0x4: {  	s4 =	simm.s32 $0x0;
	s11 =	stileid.u32;
	s28 =	simm.s32 $0x14180  }
0x5: {  	s29 =	simm.s32 $0x5;
	s30 =	simm.s32 $0x2;
	s31 =	simm.s32 $0x4  }
0x6: {  	s3 =	sand.u32 $0x1, s3;
	[smem:$0x7FF] =	sst s4;
	s8 =	smul.u32 $0x14000, s11  }
0x7: {  	s5 =	sadd.s32 $0xEA00, s0;
	s6 =	sadd.s32 $0x2200, s0;
	s20 =	smul.u32 $0xA, s11  }
0x8: {  	s9 =	sadd.s32 $0xC200, s0;
	s10 =	smul.u32 $0x50000, s11;
	s23 =	sshll.u32 s11, $0x6  }
0x9: {  	s7 =	smul.u32 $0x140000, s3;
	_ =	strace $0x8000004A;
	[dreg:$0x4] =	wrdreg s9  }
0xa: {  	s19 =	ssub.s32 $0x2, s3;
	p0 =	seq.s32 s3, $0x0;
	s3 =	smul.u32 $0x96, s11  }
0xb: {  	s21 =	sshrl.u32 s19, $0x1;
	s13 =	sadd.s32 $0x960, s20;
	s22 =	sshrl.u32 s10, $0x2  }
0xc: {  	s10 =	sor.u32 $0x1C07, s23;
	s9 =	sadd.s32 $0x96A, s20;
	s20 =	simm.s32 $0x14000  }
0xd: {  	s23 =	simm.s32 $0x3;
	s7 =	sadd.s32 s8, s7;
	s13 =	smov.u32 @p0 s3  }
0xe: {  	s15 =	sadd.s32 s22, s2;
	s3 =	sadd.s32 $0x96, s3;
	s22 =	simm.s32 $0x1  }
0xf: {  	s7 =	sshrl.u32 s7, $0x3;
	s24 =	sshll.u32 s13, $0x4;
	s9 =	smov.u32 @p0 s3  }
0x10: {  	s3 =	simm.s32 $0x4B;
	s17 =	sadd.s32 $0x2, s13;
	s18 =	sshrl.u32 s15, $0x3  }
0x11: {  	s0 =	sadd.s32 s7, s0;
	s7 =	ssub.s32 s19, s21;
	s3 =	simm.s32 @!p0 $0x5  }
0x12: {  	s12 =	sadd.s32 s6, s24;
	s11 =	sadd.s32 s1, s24;
	[dreg:$0x6] =	wrdreg s3  }
0x13: {  	s8 =	sadd.s32 $0xFFFFFFFF, s9;
	s19 =	simm.s32 $0x7;
	[dreg:$0x5] =	wrdreg s12  }
0x14: {  	s21 =	simm.s32 $0x14100;
	s0 =	sadd.s32 $0x35C00, s0;
	[dreg:$0x7] =	wrdreg s11  }
0x15: {  	s24 =	simm.s32 $0x80;
	s25 =	smax.u32 s7, $0x1;
	[dreg:$0x8] =	wrdreg s0  }
0x16: {  	s26 =	sadd.s32 $0x10, s12;
	s11 =	sadd.s32 $0x10, s11;
	[dreg:$0x9] =	wrdreg s25  }
0x17: {  	s3 =	simm.s32 $0x6;
	s7 =	simm.s32 $0x0;
	[dreg:$0xa] =	wrdreg s26  }
0x18: {  	s25 =	simm.s32 $0x14200;
	s26 =	simm.s32 $0x14080;
	s0 =	simm.s32 $0x18200  }
.LBB2_1:
0x19: {  	s9 =	rddreg [dreg:$0x4]  }
0x1a: {  	[spmem:s18], [sflag:s10] =	dma.local [hbm:s9], $0x2800  }
0x1b: {  	_ =	swait.ge [sflag:s19], $0x2800  }
0x1c: {  	[sflag:s19] =	ssyncset.done $0x0  }
0x1d: {  	s13 =	rddreg [dreg:$0x5];
	[sflag:s19] =	ssyncadd.s32 $0xFFFFD800  }
0x1e: {  	[tilespmem:s20], [sflag:$0x1] =	stream.linear.gather [hbm4b:s13+s4], $0x80, $0x38;
	[tilespmem:$0x1C200] =	vst v63  }
0x1f: {  	s15 =	rddreg [dreg:$0x7]  }
0x20: {  	[tilespmem:s21], [sflag:$0x3] =	stream.linear.gather [hbm4b:s15+s4], $0x80, $0x38;
	[tilespmem:$0x1C200] =	vst v63  }
0x21: {  	[bflag:$0x0] =	sbarrier.arrive $0xFFFF  }
0x22: {  	_ =	swait.ge [sflag:s22], $0x80  }
0x23: {  	[sflag:s22] =	ssyncset.done $0x0  }
0x24: {  	[sflag:s22] =	ssyncadd.s32 $0xFFFFFF80  }
0x25: {  	_ =	swait.ge [sflag:s23], $0x80  }
0x26: {  	[sflag:s23] =	ssyncset.done $0x0  }
0x27: {  	[sflag:s23] =	ssyncadd.s32 $0xFFFFFF80  }
0x28: {  	[tilespmem:s25], [sflag:$0x5] =	stream.indirect.gather [hbm4b:s5+s24], $0x80, s20, s24, $0xb8;
	[tilespmem:$0x1C200] =	vst v63  }
0x29: {  	s15 =	rddreg [dreg:$0xa]  }
0x2a: {  	[tilespmem:s26], [sflag:$0x2] =	stream.linear.gather [hbm4b:s15+s4], $0x80, $0x38;
	[tilespmem:$0x1C200] =	vst v63  }
0x2b: {  	_ = 	snop  }
0x2c: {  	[tilespmem:s28], [sflag:$0x4] =	stream.linear.gather [hbm4b:s11+s4], $0x80, $0x38;
	[tilespmem:$0x1C200] =	vst v63  }
0x2d: {  	_ =	swait.ge [sflag:s29], $0x4000  }
0x2e: {  	[sflag:s29] =	ssyncset.done $0x0  }
0x2f: {  	[sflag:s29] =	ssyncadd.s32 $0xFFFFC000  }
0x30: {  	[spmem:s2] =	stream.indirect.scatter.add.f32 [tilespmem:s25], [sflag:$0x6], $0x80, s21, s24, $0xb8;
	[tilespmem:$0x1C200] =	vst v63  }
0x31: {  	_ =	swait.ge [sflag:s30], $0x80  }
0x32: {  	[sflag:s30] =	ssyncset.done $0x0  }
0x33: {  	[sflag:s30] =	ssyncadd.s32 $0xFFFFFF80  }
0x34: {  	_ =	swait.ge [sflag:s31], $0x80  }
0x35: {  	[sflag:s31] =	ssyncset.done $0x0  }
0x36: {  	[sflag:s31] =	ssyncadd.s32 $0xFFFFFF80  }
0x37: {  	[tilespmem:s0], [sflag:$0x5] =	stream.indirect.gather [hbm4b:s5+s24], $0x80, s26, s24, $0xb8;
	[tilespmem:$0x1C200] =	vst v63  }
0x38: {  	_ =	swait.ge [sflag:s29], $0x4000  }
0x39: {  	[sflag:s29] =	ssyncset.done $0x0  }
0x3a: {  	p0 =	slt.s32 s17, s8;
	s9 =	smov.u32 s8;
	[sflag:s29] =	ssyncadd.s32 $0xFFFFC000  }
0x3b: {  	[spmem:s2] =	stream.indirect.scatter.add.f32 [tilespmem:s0], [sflag:$0x6], $0x80, s28, s24, $0xb8;
	[tilespmem:$0x1C200] =	vst v63  }
0x3c: {  	s9 =	smov.u32 @p0 s17;
	_ =	swait.ge [sflag:s3], $0x4000  }
0x3d: {  	s9 =	sshll.u32 s9, $0x4;
	s16 =	rddreg [dreg:$0x6]  }
0x3e: {  	s9 =	sand.u32 $0x1FFFFFF0, s9;
	[sflag:s3] =	ssyncset.done $0x0;
	p0 =	sne.s32 s16, $0x1  }
.Ltmp0:
0x3f: {  	s13 =	sadd.s32 s6, s9;
	[sflag:s3] =	ssyncadd.s32 $0xFFFFC000;
	(pc) =	sbr.rel @!p0 .LBB2_3-.Ltmp0, $4  }
0x40: {  	[tilespmem:s20], [sflag:$0x1] =	stream.linear.gather [hbm4b:s13+s4], $0x80, $0x38;
	[tilespmem:$0x1C200] =	vst v63  }
0x41: {  	s14 =	smov.u32 s10;
	s9 =	sadd.s32 s1, s9;
	s13 =	sadd.s32 $0xFFFFFFFF, s16  }
0x42: {  	[tilespmem:s21], [sflag:$0x3] =	stream.linear.gather [hbm4b:s9+s4], $0x80, $0x38;
	[tilespmem:$0x1C200] =	vst v63  }
0x43: {  	s16 =	smov.u32 s11;
	s9 =	sadd.s32 $0x2, s17;
	_ =	swait.ge [sflag:s3], $0x4000  }
.LBB2_2:
0x44: {  	[sflag:s3] =	ssyncset.done $0x0;
	s15 =	sadd.s32 $0x20, s15;
	s16 =	sadd.s32 $0x20, s16  }
0x45: {  	p0 =	sne.s32 s13, $0x1;
	s13 =	sadd.s32 $0xFFFFFFFF, s13;
	[sflag:s3] =	ssyncadd.s32 $0xFFFFC000  }
0x46: {  	_ =	swait.ge [sflag:s22], $0x80  }
0x47: {  	[sflag:s22] =	ssyncset.done $0x0  }
0x48: {  	[sflag:s22] =	ssyncadd.s32 $0xFFFFFF80  }
0x49: {  	_ =	swait.ge [sflag:s23], $0x80  }
0x4a: {  	[sflag:s23] =	ssyncset.done $0x0  }
0x4b: {  	[sflag:s23] =	ssyncadd.s32 $0xFFFFFF80  }
0x4c: {  	[tilespmem:s25], [sflag:$0x5] =	stream.indirect.gather [hbm4b:s5+s24], $0x80, s20, s24, $0xb8;
	[tilespmem:$0x1C200] =	vst v63  }
0x4d: {  	_ = 	snop  }
0x4e: {  	[tilespmem:s26], [sflag:$0x2] =	stream.linear.gather [hbm4b:s15+s4], $0x80, $0x38;
	[tilespmem:$0x1C200] =	vst v63  }
0x4f: {  	_ = 	snop  }
0x50: {  	[tilespmem:s28], [sflag:$0x4] =	stream.linear.gather [hbm4b:s16+s4], $0x80, $0x38;
	[tilespmem:$0x1C200] =	vst v63  }
0x51: {  	_ =	swait.ge [sflag:s29], $0x4000  }
0x52: {  	[sflag:s29] =	ssyncset.done $0x0  }
0x53: {  	[sflag:s29] =	ssyncadd.s32 $0xFFFFC000  }
0x54: {  	[spmem:s2] =	stream.indirect.scatter.add.f32 [tilespmem:s25], [sflag:$0x6], $0x80, s21, s24, $0xb8;
	[tilespmem:$0x1C200] =	vst v63  }
0x55: {  	_ =	swait.ge [sflag:s30], $0x80  }
0x56: {  	[sflag:s30] =	ssyncset.done $0x0  }
0x57: {  	[sflag:s30] =	ssyncadd.s32 $0xFFFFFF80  }
0x58: {  	_ =	swait.ge [sflag:s31], $0x80  }
0x59: {  	[sflag:s31] =	ssyncset.done $0x0  }
0x5a: {  	[sflag:s31] =	ssyncadd.s32 $0xFFFFFF80  }
0x5b: {  	[tilespmem:s0], [sflag:$0x5] =	stream.indirect.gather [hbm4b:s5+s24], $0x80, s26, s24, $0xb8;
	[tilespmem:$0x1C200] =	vst v63  }
0x5c: {  	_ =	swait.ge [sflag:s29], $0x4000  }
0x5d: {  	[sflag:s29] =	ssyncset.done $0x0  }
0x5e: {  	p1 =	slt.s32 s9, s8;
	s12 =	smov.u32 s8;
	[sflag:s29] =	ssyncadd.s32 $0xFFFFC000  }
0x5f: {  	[spmem:s2] =	stream.indirect.scatter.add.f32 [tilespmem:s0], [sflag:$0x6], $0x80, s28, s24, $0xb8;
	[tilespmem:$0x1C200] =	vst v63  }
0x60: {  	s12 =	smov.u32 @p1 s9;
	_ =	swait.ge [sflag:s3], $0x4000  }
0x61: {  	s12 =	sshll.u32 s12, $0x4;
	[sflag:s3] =	ssyncset.done $0x0  }
0x62: {  	s12 =	sand.u32 $0x1FFFFFF0, s12;
	[sflag:s3] =	ssyncadd.s32 $0xFFFFC000  }
.Ltmp1:
0x63: {  	s10 =	sadd.s32 s6, s12;
	s12 =	sadd.s32 s1, s12;
	(pc) =	sbr.rel @p0 .LBB2_2-.Ltmp1, $4  }
0x64: {  	[tilespmem:s20], [sflag:$0x1] =	stream.linear.gather [hbm4b:s10+s4], $0x80, $0x38;
	[tilespmem:$0x1C200] =	vst v63  }
0x65: {  	_ = 	snop  }
0x66: {  	[tilespmem:s21], [sflag:$0x3] =	stream.linear.gather [hbm4b:s12+s4], $0x80, $0x38;
	[tilespmem:$0x1C200] =	vst v63  }
0x67: {  	s9 =	sadd.s32 $0x2, s9;
	_ =	swait.ge [sflag:s3], $0x4000  }
.LBB2_3:
0x68: {  	[sflag:s3] =	ssyncset.done $0x0  }
0x69: {  	[sflag:s3] =	ssyncadd.s32 $0xFFFFC000  }
0x6a: {  	_ =	swait.ge [sflag:s22], $0x80  }
0x6b: {  	[sflag:s22] =	ssyncset.done $0x0  }
0x6c: {  	[sflag:s22] =	ssyncadd.s32 $0xFFFFFF80  }
0x6d: {  	_ =	swait.ge [sflag:s23], $0x80  }
0x6e: {  	[sflag:s23] =	ssyncset.done $0x0  }
0x6f: {  	[sflag:s23] =	ssyncadd.s32 $0xFFFFFF80  }
0x70: {  	[bflag:$0x0] =	sbarrier.arrive $0xFFFF  }
0x71: {  	s9 =	rddreg [dreg:$0x8]  }
0x72: {  	[hbm:s9], [sflag:s14] =	dma.local [spmem:s18], $0x2800  }
0x73: {  	_ =	swait.ge [sflag:s19], $0x2800  }
0x74: {  	s7 =	sadd.s32 $0x1, s7;
	s16 =	rddreg [dreg:$0x9]  }
0x75: {  	p0 =	sne.s32 s7, s16  }
.Ltmp2:
0x76: {  	_ = 	snop;
	(pc) =	sbr.rel @p0 .LBB2_1-.Ltmp2, $3  }
0x77: {  	_ =	sdelay $0x1  }
0x78: {  	[sflag:s19] =	ssyncset.done $0x0  }
0x79: {  	s10 =	smov.u32 s14;
	[sflag:s19] =	ssyncadd.s32 $0xFFFFD800  }
0x7a: {  	_ =	sfence.sel $0x180000  }
0x7b: {  	[bflag:$0x0] =	sbarrier.arrive $0xFFFF  }
0x7c: {  	_ =	strace $0x9000004A  }
0x7d: {  	s0 =	stileid.u32;
	[bflag:$0x2] =	sbarrier.arrive $0xFFFF  }
0x7e: {  	p0 =	sne.s32 s0, $0x0;
	s0 =	rddreg [dreg:$0x3]  }
0x7f: {  	s0 =	sadd.s32 @!p0 $0x100000, s0  }
0x80: {  	[sflag:s0] =	ssyncadd.tile.s32 @!p0 $0x1;
	_ =	shalt  }
.Lfunc_end2:
_tile_overlayer_lowered:
.L_overlay_start_2:
0x81: {  	(tag) =	ssettag $0x2  }
0x82: {  	s0 =	rddreg [dreg:$0x0];
	s2 =	stileid.u32  }
0x83: {  	s1 =	rddreg [dreg:$0x1];
	p0 =	sne.s32 s2, $0x0  }
0x84: {  	s3 =	rddreg [dreg:$0x2];
	[bflag:$0x3] =	sbarrier.arrive $0xFFFF;
	s2 =	simm.s32 @!p0 $0x1C07  }
0x85: {  	[timem:s3], [sflag:s2] =	dma.local @!p0 [hbm:s0], s1  }
0x86: {  	s0 =	simm.s32 @!p0 $0x7  }
0x87: {  	_ =	swait.ge @!p0 [sflag:s0], s1  }
0x88: {  	s1 =	ssub.s32 @!p0 $0x0, s1;
	[sflag:s0] =	ssyncset.done @!p0 $0x0  }
0x89: {  	[sflag:s0] =	ssyncadd.s32 @!p0 s1  }
0x8a: {  	[bflag:$0x3] =	sbarrier.arrive $0xFFFF  }
0x8b: {  	_ =	shalt  }

// kernel: kernel.15.cloned.1.call-start
scs
__scs_entry_jumppad:
0x0: {  	(pc) =	sbr.rel $0x88, $3  }
0x1: {  	(tag) =	ssettag $0x0;
	lr =	simm.s32 $0x1  }
0x2: {  	[smem:$0x3F99] =	sst lr;
	_ =	strace $0xD0000000  }
0x3: {  	_ = 	snop  }
0x4: {  	_ = 	snop  }
0x5: {  	_ = 	snop  }
0x6: {  	_ = 	snop  }
0x7: {  	_ = 	snop  }
__scs_overlays_trampoline_lowered:
0x8: {  	[smem:$0x3FA8] =	sst s0  }
0x9: {  	[smem:$0x3FA9] =	sst s1  }
0xa: {  	[smem:$0x3FAA] =	sst s2  }
0xb: {  	[smem:$0x3FAB] =	sst s3  }
0xc: {  	[smem:$0x3FAC] =	sst s4  }
0xd: {  	[smem:$0x3FAD] =	sst s5  }
0xe: {  	[smem:$0x3FAE] =	sst s6  }
0xf: {  	[smem:$0x3FAF] =	sst s7  }
0x10: {  	[smem:$0x3FB0] =	sst s8  }
0x11: {  	[smem:$0x3FB1] =	sst s9;
	s0 =	simm.s32 @!p0 $0x0  }
0x12: {  	s1 =	sld [smem:$0x3F97];
	s0 =	simm.s32 @p0 $0x1  }
0x13: {  	[smem:$0x3FB2] =	sst s0;
	s0 =	simm.s32 @!p1 $0x0  }
0x14: {  	s2 =	sld [smem:$0x3F96];
	s0 =	simm.s32 @p1 $0x1  }
0x15: {  	[smem:$0x3FB3] =	sst s0;
	s0 =	simm.s32 @!p2 $0x0  }
0x16: {  	s3 =	sld [smem:$0x3FDB];
	s0 =	simm.s32 @p2 $0x1  }
0x17: {  	s4 =	simm.s32 $0x1BF5;
	[smem:$0x3FB5] =	sst s0  }
0x18: {  	s0 =	sld [smem:$0x3F98];
	_ =	swait.ge [sflag:s4], $0x0  }
0x19: {  	s7 =	sld [smem:$0x3F99]  }
0x1a: {  	s8 =	sadd.s32 $0xFFFFE003, lr  }
0x1b: {  	s9 =	sadd.s32 $0xFFFFFEF7, lr;
	s5 =	simm.s32 $0xFFFFFFFF;
	p2 =	slt.u32 s8, $0xFFFFF086  }
0x1c: {  	p1 =	slt.u32 s9, $0xF7A;
	s5 =	simm.s32 @!p2 $0x0  }
0x1d: {  	s5 =	simm.s32 @p1 $0x1;
	p0 =	seq.s32 s7, s2  }
0x1e: {  	s7 =	smul.u32 @!p0 $0xF7A, s2;
	p2 =	seq.s32 @!p0 s5, $0x0  }
0x1f: {  	s9 =	smul.u32 $0xF7A, s1;
	s8 =	simm.s32 @!p0 $0x1BF5;
	p2 =	por !p2, p0  }
0x20: {  	[sflag:s8] =	ssyncset.s32 @!p0 $0xFFFFF086;
	s6 =	sadd.s32 @!p0 s3, s7;
	s7 =	simm.s32 @!p0 $0x108  }
0x21: {  	s3 =	sadd.s32 s3, s9;
	s6 =	sadd.s32 @!p0 $0x88, s6;
	s7 =	simm.s32 @p2 $0x1082  }
0x22: {  	[simem:s7], [sflag:s8] =	dma.local @!p0 [hbm:s6], $0xF7A  }
0x23: {  	s9 =	sor.u32 $0xD0000000, s2;
	s6 =	simm.s32 $0x108;
	_ =	swait.ge @!p0 [sflag:s8], $0x0  }
0x24: {  	s3 =	sadd.s32 $0x88, s3;
	s6 =	simm.s32 @!p1 $0x1082;
	[sflag:s4] =	ssyncset.s32 $0xFFFFF086  }
0x25: {  	[simem:s6], [sflag:s4] =	dma.local [hbm:s3], $0xF7A  }
0x26: {  	[smem:$0x3F99] =	sst s1;
	(tag) =	ssettag s2;
	_ =	strace s9  }
0x27: {  	s1 =	sld [smem:$0x3FA9]  }
0x28: {  	s2 =	sld [smem:$0x3FAA]  }
0x29: {  	s4 =	sld [smem:$0x3FAC]  }
0x2a: {  	p0 =	seq.s32 s5, $0x0;
	s5 =	sld [smem:$0x3FAD]  }
0x2b: {  	s6 =	sld [smem:$0x3FAE]  }
0x2c: {  	s7 =	sld [smem:$0x3FAF]  }
0x2d: {  	s3 =	simm.s32 $0x108;
	s8 =	sld [smem:$0x3FB0]  }
0x2e: {  	s3 =	simm.s32 @!p0 $0x1082;
	s9 =	sld [smem:$0x3FB1]  }
0x2f: {  	lr =	sadd.s32 s0, s3;
	s0 =	sld [smem:$0x3FA8]  }
0x30: {  	s3 =	sld [smem:$0x3FAB]  }
0x31: {  	[smem:$0x3FB4] =	sst s10  }
0x32: {  	s10 =	sld [smem:$0x3FB2];
	_ =	sdelay $0x3  }
0x33: {  	p0 =	seq.s32 s10, $0x1;
	s10 =	sld [smem:$0x3FB4];
	_ =	sdelay $0x3  }
0x34: {  	[smem:$0x3FB4] =	sst s10  }
0x35: {  	s10 =	sld [smem:$0x3FB3];
	_ =	sdelay $0x3  }
0x36: {  	p1 =	seq.s32 s10, $0x1;
	s10 =	sld [smem:$0x3FB4];
	_ =	sdelay $0x3  }
0x37: {  	[smem:$0x3FB4] =	sst s10  }
0x38: {  	s10 =	sld [smem:$0x3FB5]  }
0x39: {  	_ = 	snop;
	(pc) =	sbr.ind lr, $3  }
0x3a: {  	_ = 	snop  }
0x3b: {  	_ = 	snop  }
0x3c: {  	p2 =	seq.s32 s10, $0x1;
	s10 =	sld [smem:$0x3FB4]  }
0x3d: {  	_ =	shalt  }
0x3e: {  	_ =	shalt  }
0x3f: {  	_ =	shalt  }
0x40: {  	_ =	shalt  }
0x41: {  	_ =	shalt  }
0x42: {  	_ =	shalt  }
0x43: {  	_ =	shalt  }
0x44: {  	_ =	shalt  }
0x45: {  	_ =	shalt  }
0x46: {  	_ =	shalt  }
0x47: {  	_ =	shalt  }
0x48: {  	_ =	shalt  }
0x49: {  	_ =	shalt  }
0x4a: {  	_ =	shalt  }
0x4b: {  	_ =	shalt  }
0x4c: {  	_ =	shalt  }
0x4d: {  	_ =	shalt  }
0x4e: {  	_ =	shalt  }
0x4f: {  	_ =	shalt  }
0x50: {  	_ =	shalt  }
0x51: {  	_ =	shalt  }
0x52: {  	_ =	shalt  }
0x53: {  	_ =	shalt  }
0x54: {  	_ =	shalt  }
0x55: {  	_ =	shalt  }
0x56: {  	_ =	shalt  }
0x57: {  	_ =	shalt  }
0x58: {  	_ =	shalt  }
0x59: {  	_ =	shalt  }
0x5a: {  	_ =	shalt  }
0x5b: {  	_ =	shalt  }
0x5c: {  	_ =	shalt  }
0x5d: {  	_ =	shalt  }
0x5e: {  	_ =	shalt  }
0x5f: {  	_ =	shalt  }
0x60: {  	_ =	shalt  }
0x61: {  	_ =	shalt  }
0x62: {  	_ =	shalt  }
0x63: {  	_ =	shalt  }
0x64: {  	_ =	shalt  }
0x65: {  	_ =	shalt  }
0x66: {  	_ =	shalt  }
0x67: {  	_ =	shalt  }
0x68: {  	_ =	shalt  }
0x69: {  	_ =	shalt  }
0x6a: {  	_ =	shalt  }
0x6b: {  	_ =	shalt  }
0x6c: {  	_ =	shalt  }
0x6d: {  	_ =	shalt  }
0x6e: {  	_ =	shalt  }
0x6f: {  	_ =	shalt  }
0x70: {  	_ =	shalt  }
0x71: {  	_ =	shalt  }
0x72: {  	_ =	shalt  }
0x73: {  	_ =	shalt  }
0x74: {  	_ =	shalt  }
0x75: {  	_ =	shalt  }
0x76: {  	_ =	shalt  }
0x77: {  	_ =	shalt  }
0x78: {  	_ =	shalt  }
0x79: {  	_ =	shalt  }
0x7a: {  	_ =	shalt  }
0x7b: {  	_ =	shalt  }
0x7c: {  	_ =	shalt  }
0x7d: {  	_ =	shalt  }
0x7e: {  	_ =	shalt  }
0x7f: {  	_ =	shalt  }
0x80: {  	_ =	shalt  }
0x81: {  	_ =	shalt  }
0x82: {  	_ =	shalt  }
0x83: {  	_ =	shalt  }
0x84: {  	_ =	shalt  }
0x85: {  	_ =	shalt  }
0x86: {  	_ =	shalt  }
0x87: {  	_ =	shalt  }
.Lfunc_end0:
.L_simem_size_0:
called_computation.2_lowered:
.L_overlay_start_0:
0x88: {  	s2 =	sld [smem:$0x3FD9]  }
0x89: {  	s3 =	sld [smem:$0x3FFE];
	_ =	sdelay $0x1  }
0x8a: {  	s1 =	srdreg.scid  }
0x8b: {  	s0 =	sand.u32 $0x1, s1  }
0x8c: {  	s17 =	sshll.u32 s0, $0xA;
	s2 =	sadd.s32 s3, s2  }
0x8d: {  	s2 =	sadd.s32 s2, s17  }
0x8e: {  	[smem:$0x3FC0] =	sst s2  }
0x8f: {  	_ = 	snop  }
0x90: {  	s2 =	sld [smem:$0x3FD0];
	(tm) =	ssettm $0x1  }
0x91: {  	s18 =	sld [smem:$0x3FFB];
	_ =	sdelay $0x3  }
0x92: {  	_ =	strace s18  }
0x93: {  	s3 =	sld [smem:$0x3FFC];
	_ =	sdelay $0x3  }
0x94: {  	_ =	strace s3  }
0x95: {  	s3 =	sld [smem:$0x3FFD];
	_ =	sdelay $0x3  }
0x96: {  	_ =	strace s3  }
0x97: {  	_ =	strace $0x8FFFFFFF  }
0x98: {  	s19 =	sld [smem:$0x3FDB];
	_ =	sdelay $0x1  }
0x99: {  	s4 =	simm.s32 $_scs_section_size  }
0x9a: {  	s5 =	simm.s32 $_size__tile_overlayer_lowered;
	s6 =	simm.s32 $_tile_overlayer_lowered  }
0x9b: {  	s22 =	simm.s32 $0x1BFF;
	s21 =	sshll.u32 s6, $0x1;
	s3 =	sadd.s32 s4, s19  }
0x9c: {  	s7 =	simm.s32 $0x0;
	s20 =	sshll.u32 s5, $0x1;
	s5 =	sadd.s32 s21, s3  }
0x9d: {  	[timem:s7], [sflag:s22] =	dma.local [hbm:s5], s20  }
0x9e: {  	_ =	swait.ge [sflag:s22], s20  }
0x9f: {  	s4 =	ssub.s32 $0x0, s20;
	[sflag:s22] =	ssyncset.done $0x0  }
0xa0: {  	[sflag:s22] =	ssyncadd.s32 s4;
	_ =	sdelay $0x1  }
0xa1: {  	s23 =	simm.s32 $0x1B8B  }
0xa2: {  	_ =	swait.ge [sflag:s23], $0x1  }
0xa3: {  	[sflag:s23] =	ssyncset.done $0x0  }
0xa4: {  	s25 =	simm.s32 $0x1B8E;
	s24 =	sld [smem:$0x3FFE];
	[sflag:s23] =	ssyncadd.s32 $0xFFFFFFFF  }
0xa5: {  	s26 =	simm.s32 $execute0_lowered;
	[smem:$0x3FD2] =	sst s25  }
0xa6: {  	s5 =	sshll.u32 s26, $0x1;
	_ =	strace $0x8000004C;
	[dreg:$0x1] =	wrdreg $0xFFFFFFFF  }
0xa7: {  	s28 =	simm.s32 $_size_execute0_lowered;
	s3 =	sadd.s32 s3, s5;
	[dreg:$0x0] =	wrdreg $0x0  }
0xa8: {  	s5 =	sshll.u32 s28, $0x1;
	[dreg:$0x2] =	wrdreg s3  }
0xa9: {  	[dreg:$0x3] =	wrdreg s5  }
0xaa: {  	[dreg:$0x4] =	wrdreg $0xC0  }
0xab: {  	_ =	task [dreg:s7], $0x5FFFF  }
0xac: {  	[dreg:$0x1] =	wrdreg $0xFFFFFFFF  }
0xad: {  	[dreg:$0x0] =	wrdreg $0x60  }
0xae: {  	[dreg:$0x2] =	wrdreg s24  }
0xaf: {  	[dreg:$0x3] =	wrdreg s2  }
0xb0: {  	[dreg:$0x4] =	wrdreg $0x0  }
0xb1: {  	[dreg:$0x5] =	wrdreg $0x9  }
0xb2: {  	_ =	task.clear_ibuf [dreg:s7], $0x6FFFF;
	_ =	strace $0x9000004C  }
0xb3: {  	s29 =	simm.s32 $0x9;
	_ =	strace $0x8000004E  }
0xb4: {  	_ =	swait.ge [sflag:s29], $0x1  }
0xb5: {  	[sflag:s29] =	ssyncadd.s32 $0xFFFFFFFF  }
0xb6: {  	_ =	strace $0x9000004E  }
0xb7: {  	_ =	sfence  }
0xb8: {  	s30 =	sld [smem:$0x0];
	_ =	sdelay $0x2  }
0xb9: {  	s31 =	sshll.u32 s1, $0xD;
	s1 =	sshrl.u32 s1, $0x2  }
0xba: {  	s3 =	sand.u32 $0x4000, s31;
	s1 =	sadd.s32 s1, s30  }
0xbb: {  	s0 =	sor.u32 s3, s0;
	s1 =	sshll.u32 s1, $0x11  }
0xbc: {  	s0 =	sor.u32 s1, s0  }
0xbd: {  	s0 =	sadd.s32 $0x8F2B, s0  }
0xbe: {  	[sflag:s0] =	ssyncadd.remote.s32 $0x1  }
0xbf: {  	_ =	sfence.sel $0xFFFF  }
0xc0: {  	[dreg:$0x0] =	wrdreg $0xFFFFFFFF;
	(pc) =	sbr.abs _section_cstart, $3  }
0xc1: {  	[dreg:$0x1] =	wrdreg $0xFFFFFFFF  }
0xc2: {  	_ =	task.clear_ibuf [dreg:s7], $0x2FFFF;
	_ =	strace $0x9FFFFFFF  }
0xc3: {  	(tm) =	ssettm $0x7FFFFFFF  }
tec
execute0_lowered:
.L_overlay_start_1:
0x0: {  	(tag) =	ssettag $0x1  }
0x1: {  	s0 =	rddreg [dreg:$0x0]  }
0x2: {  	s1 =	rddreg [dreg:$0x1]  }
0x3: {  	s2 =	rddreg [dreg:$0x2];
	s3 =	srdreg.scid  }
0x4: {  	s4 =	simm.s32 $0x0;
	s11 =	stileid.u32;
	s28 =	simm.s32 $0x14180  }
0x5: {  	s29 =	simm.s32 $0x5;
	s30 =	simm.s32 $0x2;
	s31 =	simm.s32 $0x4  }
0x6: {  	s3 =	sand.u32 $0x1, s3;
	[smem:$0x7FF] =	sst s4;
	s8 =	smul.u32 $0x14000, s11  }
0x7: {  	s5 =	sadd.s32 $0xEA00, s0;
	s6 =	sadd.s32 $0x2200, s0;
	s20 =	smul.u32 $0xA, s11  }
0x8: {  	s9 =	sadd.s32 $0xC200, s0;
	s10 =	smul.u32 $0x50000, s11;
	s23 =	sshll.u32 s11, $0x6  }
0x9: {  	s7 =	smul.u32 $0x140000, s3;
	_ =	strace $0x8000004D;
	[dreg:$0x4] =	wrdreg s9  }
0xa: {  	s19 =	ssub.s32 $0x2, s3;
	p0 =	seq.s32 s3, $0x0;
	s3 =	smul.u32 $0x96, s11  }
0xb: {  	s21 =	sshrl.u32 s19, $0x1;
	s13 =	sadd.s32 $0x960, s20;
	s22 =	sshrl.u32 s10, $0x2  }
0xc: {  	s10 =	sor.u32 $0x1C07, s23;
	s9 =	sadd.s32 $0x96A, s20;
	s20 =	simm.s32 $0x14000  }
0xd: {  	s23 =	simm.s32 $0x3;
	s7 =	sadd.s32 s8, s7;
	s13 =	smov.u32 @p0 s3  }
0xe: {  	s15 =	sadd.s32 s22, s2;
	s3 =	sadd.s32 $0x96, s3;
	s22 =	simm.s32 $0x1  }
0xf: {  	s7 =	sshrl.u32 s7, $0x3;
	s24 =	sshll.u32 s13, $0x4;
	s9 =	smov.u32 @p0 s3  }
0x10: {  	s3 =	simm.s32 $0x4B;
	s17 =	sadd.s32 $0x2, s13;
	s18 =	sshrl.u32 s15, $0x3  }
0x11: {  	s0 =	sadd.s32 s7, s0;
	s7 =	ssub.s32 s19, s21;
	s3 =	simm.s32 @!p0 $0x5  }
0x12: {  	s12 =	sadd.s32 s6, s24;
	s11 =	sadd.s32 s1, s24;
	[dreg:$0x6] =	wrdreg s3  }
0x13: {  	s8 =	sadd.s32 $0xFFFFFFFF, s9;
	s19 =	simm.s32 $0x7;
	[dreg:$0x5] =	wrdreg s12  }
0x14: {  	s21 =	simm.s32 $0x14100;
	s0 =	sadd.s32 $0x35C00, s0;
	[dreg:$0x7] =	wrdreg s11  }
0x15: {  	s24 =	simm.s32 $0x80;
	s25 =	smax.u32 s7, $0x1;
	[dreg:$0x8] =	wrdreg s0  }
0x16: {  	s26 =	sadd.s32 $0x10, s12;
	s11 =	sadd.s32 $0x10, s11;
	[dreg:$0x9] =	wrdreg s25  }
0x17: {  	s3 =	simm.s32 $0x6;
	s7 =	simm.s32 $0x0;
	[dreg:$0xa] =	wrdreg s26  }
0x18: {  	s25 =	simm.s32 $0x14200;
	s26 =	simm.s32 $0x14080;
	s0 =	simm.s32 $0x18200  }
.LBB2_1:
0x19: {  	s9 =	rddreg [dreg:$0x4]  }
0x1a: {  	[spmem:s18], [sflag:s10] =	dma.local [hbm:s9], $0x2800  }
0x1b: {  	_ =	swait.ge [sflag:s19], $0x2800  }
0x1c: {  	[sflag:s19] =	ssyncset.done $0x0  }
0x1d: {  	s13 =	rddreg [dreg:$0x5];
	[sflag:s19] =	ssyncadd.s32 $0xFFFFD800  }
0x1e: {  	[tilespmem:s20], [sflag:$0x1] =	stream.linear.gather [hbm4b:s13+s4], $0x80, $0x38;
	[tilespmem:$0x1C200] =	vst v63  }
0x1f: {  	s15 =	rddreg [dreg:$0x7]  }
0x20: {  	[tilespmem:s21], [sflag:$0x3] =	stream.linear.gather [hbm4b:s15+s4], $0x80, $0x38;
	[tilespmem:$0x1C200] =	vst v63  }
0x21: {  	[bflag:$0x0] =	sbarrier.arrive $0xFFFF  }
0x22: {  	_ =	swait.ge [sflag:s22], $0x80  }
0x23: {  	[sflag:s22] =	ssyncset.done $0x0  }
0x24: {  	[sflag:s22] =	ssyncadd.s32 $0xFFFFFF80  }
0x25: {  	_ =	swait.ge [sflag:s23], $0x80  }
0x26: {  	[sflag:s23] =	ssyncset.done $0x0  }
0x27: {  	[sflag:s23] =	ssyncadd.s32 $0xFFFFFF80  }
0x28: {  	[tilespmem:s25], [sflag:$0x5] =	stream.indirect.gather [hbm4b:s5+s24], $0x80, s20, s24, $0xb8;
	[tilespmem:$0x1C200] =	vst v63  }
0x29: {  	s15 =	rddreg [dreg:$0xa]  }
0x2a: {  	[tilespmem:s26], [sflag:$0x2] =	stream.linear.gather [hbm4b:s15+s4], $0x80, $0x38;
	[tilespmem:$0x1C200] =	vst v63  }
0x2b: {  	_ = 	snop  }
0x2c: {  	[tilespmem:s28], [sflag:$0x4] =	stream.linear.gather [hbm4b:s11+s4], $0x80, $0x38;
	[tilespmem:$0x1C200] =	vst v63  }
0x2d: {  	_ =	swait.ge [sflag:s29], $0x4000  }
0x2e: {  	[sflag:s29] =	ssyncset.done $0x0  }
0x2f: {  	[sflag:s29] =	ssyncadd.s32 $0xFFFFC000  }
0x30: {  	[spmem:s2] =	stream.indirect.scatter.add.f32 [tilespmem:s25], [sflag:$0x6], $0x80, s21, s24, $0xb8;
	[tilespmem:$0x1C200] =	vst v63  }
0x31: {  	_ =	swait.ge [sflag:s30], $0x80  }
0x32: {  	[sflag:s30] =	ssyncset.done $0x0  }
0x33: {  	[sflag:s30] =	ssyncadd.s32 $0xFFFFFF80  }
0x34: {  	_ =	swait.ge [sflag:s31], $0x80  }
0x35: {  	[sflag:s31] =	ssyncset.done $0x0  }
0x36: {  	[sflag:s31] =	ssyncadd.s32 $0xFFFFFF80  }
0x37: {  	[tilespmem:s0], [sflag:$0x5] =	stream.indirect.gather [hbm4b:s5+s24], $0x80, s26, s24, $0xb8;
	[tilespmem:$0x1C200] =	vst v63  }
0x38: {  	_ =	swait.ge [sflag:s29], $0x4000  }
0x39: {  	[sflag:s29] =	ssyncset.done $0x0  }
0x3a: {  	p0 =	slt.s32 s17, s8;
	s9 =	smov.u32 s8;
	[sflag:s29] =	ssyncadd.s32 $0xFFFFC000  }
0x3b: {  	[spmem:s2] =	stream.indirect.scatter.add.f32 [tilespmem:s0], [sflag:$0x6], $0x80, s28, s24, $0xb8;
	[tilespmem:$0x1C200] =	vst v63  }
0x3c: {  	s9 =	smov.u32 @p0 s17;
	_ =	swait.ge [sflag:s3], $0x4000  }
0x3d: {  	s9 =	sshll.u32 s9, $0x4;
	s16 =	rddreg [dreg:$0x6]  }
0x3e: {  	s9 =	sand.u32 $0x1FFFFFF0, s9;
	[sflag:s3] =	ssyncset.done $0x0;
	p0 =	sne.s32 s16, $0x1  }
.Ltmp0:
0x3f: {  	s13 =	sadd.s32 s6, s9;
	[sflag:s3] =	ssyncadd.s32 $0xFFFFC000;
	(pc) =	sbr.rel @!p0 .LBB2_3-.Ltmp0, $4  }
0x40: {  	[tilespmem:s20], [sflag:$0x1] =	stream.linear.gather [hbm4b:s13+s4], $0x80, $0x38;
	[tilespmem:$0x1C200] =	vst v63  }
0x41: {  	s14 =	smov.u32 s10;
	s9 =	sadd.s32 s1, s9;
	s13 =	sadd.s32 $0xFFFFFFFF, s16  }
0x42: {  	[tilespmem:s21], [sflag:$0x3] =	stream.linear.gather [hbm4b:s9+s4], $0x80, $0x38;
	[tilespmem:$0x1C200] =	vst v63  }
0x43: {  	s16 =	smov.u32 s11;
	s9 =	sadd.s32 $0x2, s17;
	_ =	swait.ge [sflag:s3], $0x4000  }
.LBB2_2:
0x44: {  	[sflag:s3] =	ssyncset.done $0x0;
	s15 =	sadd.s32 $0x20, s15;
	s16 =	sadd.s32 $0x20, s16  }
0x45: {  	p0 =	sne.s32 s13, $0x1;
	s13 =	sadd.s32 $0xFFFFFFFF, s13;
	[sflag:s3] =	ssyncadd.s32 $0xFFFFC000  }
0x46: {  	_ =	swait.ge [sflag:s22], $0x80  }
0x47: {  	[sflag:s22] =	ssyncset.done $0x0  }
0x48: {  	[sflag:s22] =	ssyncadd.s32 $0xFFFFFF80  }
0x49: {  	_ =	swait.ge [sflag:s23], $0x80  }
0x4a: {  	[sflag:s23] =	ssyncset.done $0x0  }
0x4b: {  	[sflag:s23] =	ssyncadd.s32 $0xFFFFFF80  }
0x4c: {  	[tilespmem:s25], [sflag:$0x5] =	stream.indirect.gather [hbm4b:s5+s24], $0x80, s20, s24, $0xb8;
	[tilespmem:$0x1C200] =	vst v63  }
0x4d: {  	_ = 	snop  }
0x4e: {  	[tilespmem:s26], [sflag:$0x2] =	stream.linear.gather [hbm4b:s15+s4], $0x80, $0x38;
	[tilespmem:$0x1C200] =	vst v63  }
0x4f: {  	_ = 	snop  }
0x50: {  	[tilespmem:s28], [sflag:$0x4] =	stream.linear.gather [hbm4b:s16+s4], $0x80, $0x38;
	[tilespmem:$0x1C200] =	vst v63  }
0x51: {  	_ =	swait.ge [sflag:s29], $0x4000  }
0x52: {  	[sflag:s29] =	ssyncset.done $0x0  }
0x53: {  	[sflag:s29] =	ssyncadd.s32 $0xFFFFC000  }
0x54: {  	[spmem:s2] =	stream.indirect.scatter.add.f32 [tilespmem:s25], [sflag:$0x6], $0x80, s21, s24, $0xb8;
	[tilespmem:$0x1C200] =	vst v63  }
0x55: {  	_ =	swait.ge [sflag:s30], $0x80  }
0x56: {  	[sflag:s30] =	ssyncset.done $0x0  }
0x57: {  	[sflag:s30] =	ssyncadd.s32 $0xFFFFFF80  }
0x58: {  	_ =	swait.ge [sflag:s31], $0x80  }
0x59: {  	[sflag:s31] =	ssyncset.done $0x0  }
0x5a: {  	[sflag:s31] =	ssyncadd.s32 $0xFFFFFF80  }
0x5b: {  	[tilespmem:s0], [sflag:$0x5] =	stream.indirect.gather [hbm4b:s5+s24], $0x80, s26, s24, $0xb8;
	[tilespmem:$0x1C200] =	vst v63  }
0x5c: {  	_ =	swait.ge [sflag:s29], $0x4000  }
0x5d: {  	[sflag:s29] =	ssyncset.done $0x0  }
0x5e: {  	p1 =	slt.s32 s9, s8;
	s12 =	smov.u32 s8;
	[sflag:s29] =	ssyncadd.s32 $0xFFFFC000  }
0x5f: {  	[spmem:s2] =	stream.indirect.scatter.add.f32 [tilespmem:s0], [sflag:$0x6], $0x80, s28, s24, $0xb8;
	[tilespmem:$0x1C200] =	vst v63  }
0x60: {  	s12 =	smov.u32 @p1 s9;
	_ =	swait.ge [sflag:s3], $0x4000  }
0x61: {  	s12 =	sshll.u32 s12, $0x4;
	[sflag:s3] =	ssyncset.done $0x0  }
0x62: {  	s12 =	sand.u32 $0x1FFFFFF0, s12;
	[sflag:s3] =	ssyncadd.s32 $0xFFFFC000  }
.Ltmp1:
0x63: {  	s10 =	sadd.s32 s6, s12;
	s12 =	sadd.s32 s1, s12;
	(pc) =	sbr.rel @p0 .LBB2_2-.Ltmp1, $4  }
0x64: {  	[tilespmem:s20], [sflag:$0x1] =	stream.linear.gather [hbm4b:s10+s4], $0x80, $0x38;
	[tilespmem:$0x1C200] =	vst v63  }
0x65: {  	_ = 	snop  }
0x66: {  	[tilespmem:s21], [sflag:$0x3] =	stream.linear.gather [hbm4b:s12+s4], $0x80, $0x38;
	[tilespmem:$0x1C200] =	vst v63  }
0x67: {  	s9 =	sadd.s32 $0x2, s9;
	_ =	swait.ge [sflag:s3], $0x4000  }
.LBB2_3:
0x68: {  	[sflag:s3] =	ssyncset.done $0x0  }
0x69: {  	[sflag:s3] =	ssyncadd.s32 $0xFFFFC000  }
0x6a: {  	_ =	swait.ge [sflag:s22], $0x80  }
0x6b: {  	[sflag:s22] =	ssyncset.done $0x0  }
0x6c: {  	[sflag:s22] =	ssyncadd.s32 $0xFFFFFF80  }
0x6d: {  	_ =	swait.ge [sflag:s23], $0x80  }
0x6e: {  	[sflag:s23] =	ssyncset.done $0x0  }
0x6f: {  	[sflag:s23] =	ssyncadd.s32 $0xFFFFFF80  }
0x70: {  	[bflag:$0x0] =	sbarrier.arrive $0xFFFF  }
0x71: {  	s9 =	rddreg [dreg:$0x8]  }
0x72: {  	[hbm:s9], [sflag:s14] =	dma.local [spmem:s18], $0x2800  }
0x73: {  	_ =	swait.ge [sflag:s19], $0x2800  }
0x74: {  	s7 =	sadd.s32 $0x1, s7;
	s16 =	rddreg [dreg:$0x9]  }
0x75: {  	p0 =	sne.s32 s7, s16  }
.Ltmp2:
0x76: {  	_ = 	snop;
	(pc) =	sbr.rel @p0 .LBB2_1-.Ltmp2, $3  }
0x77: {  	_ =	sdelay $0x1  }
0x78: {  	[sflag:s19] =	ssyncset.done $0x0  }
0x79: {  	s10 =	smov.u32 s14;
	[sflag:s19] =	ssyncadd.s32 $0xFFFFD800  }
0x7a: {  	_ =	sfence.sel $0x180000  }
0x7b: {  	[bflag:$0x0] =	sbarrier.arrive $0xFFFF  }
0x7c: {  	_ =	strace $0x9000004D  }
0x7d: {  	s0 =	stileid.u32;
	[bflag:$0x2] =	sbarrier.arrive $0xFFFF  }
0x7e: {  	p0 =	sne.s32 s0, $0x0;
	s0 =	rddreg [dreg:$0x3]  }
0x7f: {  	s0 =	sadd.s32 @!p0 $0x100000, s0  }
0x80: {  	[sflag:s0] =	ssyncadd.tile.s32 @!p0 $0x1;
	_ =	shalt  }
.Lfunc_end2:
_tile_overlayer_lowered:
.L_overlay_start_2:
0x81: {  	(tag) =	ssettag $0x2  }
0x82: {  	s0 =	rddreg [dreg:$0x0];
	s2 =	stileid.u32  }
0x83: {  	s1 =	rddreg [dreg:$0x1];
	p0 =	sne.s32 s2, $0x0  }
0x84: {  	s3 =	rddreg [dreg:$0x2];
	[bflag:$0x3] =	sbarrier.arrive $0xFFFF;
	s2 =	simm.s32 @!p0 $0x1C07  }
0x85: {  	[timem:s3], [sflag:s2] =	dma.local @!p0 [hbm:s0], s1  }
0x86: {  	s0 =	simm.s32 @!p0 $0x7  }
0x87: {  	_ =	swait.ge @!p0 [sflag:s0], s1  }
0x88: {  	s1 =	ssub.s32 @!p0 $0x0, s1;
	[sflag:s0] =	ssyncset.done @!p0 $0x0  }
0x89: {  	[sflag:s0] =	ssyncadd.s32 @!p0 s1  }
0x8a: {  	[bflag:$0x3] =	sbarrier.arrive $0xFFFF  }
0x8b: {  	_ =	shalt  }

// kernel: kernel.9.cloned.1.call-start
scs
__scs_entry_jumppad:
0x0: {  	(pc) =	sbr.rel $0x88, $3  }
0x1: {  	(tag) =	ssettag $0x0;
	lr =	simm.s32 $0x1  }
0x2: {  	[smem:$0x3F99] =	sst lr;
	_ =	strace $0xD0000000  }
0x3: {  	_ = 	snop  }
0x4: {  	_ = 	snop  }
0x5: {  	_ = 	snop  }
0x6: {  	_ = 	snop  }
0x7: {  	_ = 	snop  }
__scs_overlays_trampoline_lowered:
0x8: {  	[smem:$0x3FA8] =	sst s0  }
0x9: {  	[smem:$0x3FA9] =	sst s1  }
0xa: {  	[smem:$0x3FAA] =	sst s2  }
0xb: {  	[smem:$0x3FAB] =	sst s3  }
0xc: {  	[smem:$0x3FAC] =	sst s4  }
0xd: {  	[smem:$0x3FAD] =	sst s5  }
0xe: {  	[smem:$0x3FAE] =	sst s6  }
0xf: {  	[smem:$0x3FAF] =	sst s7  }
0x10: {  	[smem:$0x3FB0] =	sst s8  }
0x11: {  	[smem:$0x3FB1] =	sst s9;
	s0 =	simm.s32 @!p0 $0x0  }
0x12: {  	s1 =	sld [smem:$0x3F97];
	s0 =	simm.s32 @p0 $0x1  }
0x13: {  	[smem:$0x3FB2] =	sst s0;
	s0 =	simm.s32 @!p1 $0x0  }
0x14: {  	s2 =	sld [smem:$0x3F96];
	s0 =	simm.s32 @p1 $0x1  }
0x15: {  	[smem:$0x3FB3] =	sst s0;
	s0 =	simm.s32 @!p2 $0x0  }
0x16: {  	s3 =	sld [smem:$0x3FDB];
	s0 =	simm.s32 @p2 $0x1  }
0x17: {  	s4 =	simm.s32 $0x1BF5;
	[smem:$0x3FB5] =	sst s0  }
0x18: {  	s0 =	sld [smem:$0x3F98];
	_ =	swait.ge [sflag:s4], $0x0  }
0x19: {  	s7 =	sld [smem:$0x3F99]  }
0x1a: {  	s8 =	sadd.s32 $0xFFFFE003, lr  }
0x1b: {  	s9 =	sadd.s32 $0xFFFFFEF7, lr;
	s5 =	simm.s32 $0xFFFFFFFF;
	p2 =	slt.u32 s8, $0xFFFFF086  }
0x1c: {  	p1 =	slt.u32 s9, $0xF7A;
	s5 =	simm.s32 @!p2 $0x0  }
0x1d: {  	s5 =	simm.s32 @p1 $0x1;
	p0 =	seq.s32 s7, s2  }
0x1e: {  	s7 =	smul.u32 @!p0 $0xF7A, s2;
	p2 =	seq.s32 @!p0 s5, $0x0  }
0x1f: {  	s9 =	smul.u32 $0xF7A, s1;
	s8 =	simm.s32 @!p0 $0x1BF5;
	p2 =	por !p2, p0  }
0x20: {  	[sflag:s8] =	ssyncset.s32 @!p0 $0xFFFFF086;
	s6 =	sadd.s32 @!p0 s3, s7;
	s7 =	simm.s32 @!p0 $0x108  }
0x21: {  	s3 =	sadd.s32 s3, s9;
	s6 =	sadd.s32 @!p0 $0x88, s6;
	s7 =	simm.s32 @p2 $0x1082  }
0x22: {  	[simem:s7], [sflag:s8] =	dma.local @!p0 [hbm:s6], $0xF7A  }
0x23: {  	s9 =	sor.u32 $0xD0000000, s2;
	s6 =	simm.s32 $0x108;
	_ =	swait.ge @!p0 [sflag:s8], $0x0  }
0x24: {  	s3 =	sadd.s32 $0x88, s3;
	s6 =	simm.s32 @!p1 $0x1082;
	[sflag:s4] =	ssyncset.s32 $0xFFFFF086  }
0x25: {  	[simem:s6], [sflag:s4] =	dma.local [hbm:s3], $0xF7A  }
0x26: {  	[smem:$0x3F99] =	sst s1;
	(tag) =	ssettag s2;
	_ =	strace s9  }
0x27: {  	s1 =	sld [smem:$0x3FA9]  }
0x28: {  	s2 =	sld [smem:$0x3FAA]  }
0x29: {  	s4 =	sld [smem:$0x3FAC]  }
0x2a: {  	p0 =	seq.s32 s5, $0x0;
	s5 =	sld [smem:$0x3FAD]  }
0x2b: {  	s6 =	sld [smem:$0x3FAE]  }
0x2c: {  	s7 =	sld [smem:$0x3FAF]  }
0x2d: {  	s3 =	simm.s32 $0x108;
	s8 =	sld [smem:$0x3FB0]  }
0x2e: {  	s3 =	simm.s32 @!p0 $0x1082;
	s9 =	sld [smem:$0x3FB1]  }
0x2f: {  	lr =	sadd.s32 s0, s3;
	s0 =	sld [smem:$0x3FA8]  }
0x30: {  	s3 =	sld [smem:$0x3FAB]  }
0x31: {  	[smem:$0x3FB4] =	sst s10  }
0x32: {  	s10 =	sld [smem:$0x3FB2];
	_ =	sdelay $0x3  }
0x33: {  	p0 =	seq.s32 s10, $0x1;
	s10 =	sld [smem:$0x3FB4];
	_ =	sdelay $0x3  }
0x34: {  	[smem:$0x3FB4] =	sst s10  }
0x35: {  	s10 =	sld [smem:$0x3FB3];
	_ =	sdelay $0x3  }
0x36: {  	p1 =	seq.s32 s10, $0x1;
	s10 =	sld [smem:$0x3FB4];
	_ =	sdelay $0x3  }
0x37: {  	[smem:$0x3FB4] =	sst s10  }
0x38: {  	s10 =	sld [smem:$0x3FB5]  }
0x39: {  	_ = 	snop;
	(pc) =	sbr.ind lr, $3  }
0x3a: {  	_ = 	snop  }
0x3b: {  	_ = 	snop  }
0x3c: {  	p2 =	seq.s32 s10, $0x1;
	s10 =	sld [smem:$0x3FB4]  }
0x3d: {  	_ =	shalt  }
0x3e: {  	_ =	shalt  }
0x3f: {  	_ =	shalt  }
0x40: {  	_ =	shalt  }
0x41: {  	_ =	shalt  }
0x42: {  	_ =	shalt  }
0x43: {  	_ =	shalt  }
0x44: {  	_ =	shalt  }
0x45: {  	_ =	shalt  }
0x46: {  	_ =	shalt  }
0x47: {  	_ =	shalt  }
0x48: {  	_ =	shalt  }
0x49: {  	_ =	shalt  }
0x4a: {  	_ =	shalt  }
0x4b: {  	_ =	shalt  }
0x4c: {  	_ =	shalt  }
0x4d: {  	_ =	shalt  }
0x4e: {  	_ =	shalt  }
0x4f: {  	_ =	shalt  }
0x50: {  	_ =	shalt  }
0x51: {  	_ =	shalt  }
0x52: {  	_ =	shalt  }
0x53: {  	_ =	shalt  }
0x54: {  	_ =	shalt  }
0x55: {  	_ =	shalt  }
0x56: {  	_ =	shalt  }
0x57: {  	_ =	shalt  }
0x58: {  	_ =	shalt  }
0x59: {  	_ =	shalt  }
0x5a: {  	_ =	shalt  }
0x5b: {  	_ =	shalt  }
0x5c: {  	_ =	shalt  }
0x5d: {  	_ =	shalt  }
0x5e: {  	_ =	shalt  }
0x5f: {  	_ =	shalt  }
0x60: {  	_ =	shalt  }
0x61: {  	_ =	shalt  }
0x62: {  	_ =	shalt  }
0x63: {  	_ =	shalt  }
0x64: {  	_ =	shalt  }
0x65: {  	_ =	shalt  }
0x66: {  	_ =	shalt  }
0x67: {  	_ =	shalt  }
0x68: {  	_ =	shalt  }
0x69: {  	_ =	shalt  }
0x6a: {  	_ =	shalt  }
0x6b: {  	_ =	shalt  }
0x6c: {  	_ =	shalt  }
0x6d: {  	_ =	shalt  }
0x6e: {  	_ =	shalt  }
0x6f: {  	_ =	shalt  }
0x70: {  	_ =	shalt  }
0x71: {  	_ =	shalt  }
0x72: {  	_ =	shalt  }
0x73: {  	_ =	shalt  }
0x74: {  	_ =	shalt  }
0x75: {  	_ =	shalt  }
0x76: {  	_ =	shalt  }
0x77: {  	_ =	shalt  }
0x78: {  	_ =	shalt  }
0x79: {  	_ =	shalt  }
0x7a: {  	_ =	shalt  }
0x7b: {  	_ =	shalt  }
0x7c: {  	_ =	shalt  }
0x7d: {  	_ =	shalt  }
0x7e: {  	_ =	shalt  }
0x7f: {  	_ =	shalt  }
0x80: {  	_ =	shalt  }
0x81: {  	_ =	shalt  }
0x82: {  	_ =	shalt  }
0x83: {  	_ =	shalt  }
0x84: {  	_ =	shalt  }
0x85: {  	_ =	shalt  }
0x86: {  	_ =	shalt  }
0x87: {  	_ =	shalt  }
.Lfunc_end0:
.L_simem_size_0:
called_computation_lowered:
.L_overlay_start_0:
0x88: {  	s2 =	sld [smem:$0x3FD9]  }
0x89: {  	s3 =	sld [smem:$0x3FFE];
	_ =	sdelay $0x1  }
0x8a: {  	s1 =	srdreg.scid  }
0x8b: {  	s0 =	sand.u32 $0x1, s1  }
0x8c: {  	s17 =	sshll.u32 s0, $0xA;
	s2 =	sadd.s32 s3, s2  }
0x8d: {  	s2 =	sadd.s32 s2, s17  }
0x8e: {  	[smem:$0x3FC0] =	sst s2  }
0x8f: {  	_ = 	snop  }
0x90: {  	s2 =	sld [smem:$0x3FD0];
	(tm) =	ssettm $0x1  }
0x91: {  	s18 =	sld [smem:$0x3FFB];
	_ =	sdelay $0x3  }
0x92: {  	_ =	strace s18  }
0x93: {  	s3 =	sld [smem:$0x3FFC];
	_ =	sdelay $0x3  }
0x94: {  	_ =	strace s3  }
0x95: {  	s3 =	sld [smem:$0x3FFD];
	_ =	sdelay $0x3  }
0x96: {  	_ =	strace s3  }
0x97: {  	_ =	strace $0x8FFFFFFF  }
0x98: {  	s19 =	sld [smem:$0x3FDB];
	_ =	sdelay $0x1  }
0x99: {  	s4 =	simm.s32 $_scs_section_size  }
0x9a: {  	s5 =	simm.s32 $_size__tile_overlayer_lowered;
	s6 =	simm.s32 $_tile_overlayer_lowered  }
0x9b: {  	s22 =	simm.s32 $0x1BFF;
	s21 =	sshll.u32 s6, $0x1;
	s3 =	sadd.s32 s4, s19  }
0x9c: {  	s7 =	simm.s32 $0x0;
	s20 =	sshll.u32 s5, $0x1;
	s5 =	sadd.s32 s21, s3  }
0x9d: {  	[timem:s7], [sflag:s22] =	dma.local [hbm:s5], s20  }
0x9e: {  	_ =	swait.ge [sflag:s22], s20  }
0x9f: {  	s4 =	ssub.s32 $0x0, s20;
	[sflag:s22] =	ssyncset.done $0x0  }
0xa0: {  	[sflag:s22] =	ssyncadd.s32 s4;
	_ =	sdelay $0x1  }
0xa1: {  	s23 =	simm.s32 $0x1B8B  }
0xa2: {  	_ =	swait.ge [sflag:s23], $0x1  }
0xa3: {  	[sflag:s23] =	ssyncset.done $0x0  }
0xa4: {  	s25 =	simm.s32 $0x1B8E;
	s24 =	sld [smem:$0x3FFE];
	[sflag:s23] =	ssyncadd.s32 $0xFFFFFFFF  }
0xa5: {  	s26 =	simm.s32 $execute0_lowered;
	[smem:$0x3FD2] =	sst s25  }
0xa6: {  	s5 =	sshll.u32 s26, $0x1;
	_ =	strace $0x80000046;
	[dreg:$0x1] =	wrdreg $0xFFFFFFFF  }
0xa7: {  	s28 =	simm.s32 $_size_execute0_lowered;
	s3 =	sadd.s32 s3, s5;
	[dreg:$0x0] =	wrdreg $0x0  }
0xa8: {  	s5 =	sshll.u32 s28, $0x1;
	[dreg:$0x2] =	wrdreg s3  }
0xa9: {  	[dreg:$0x3] =	wrdreg s5  }
0xaa: {  	[dreg:$0x4] =	wrdreg $0xC0  }
0xab: {  	_ =	task [dreg:s7], $0x5FFFF  }
0xac: {  	[dreg:$0x1] =	wrdreg $0xFFFFFFFF  }
0xad: {  	[dreg:$0x0] =	wrdreg $0x60  }
0xae: {  	[dreg:$0x2] =	wrdreg s2  }
0xaf: {  	[dreg:$0x3] =	wrdreg s24  }
0xb0: {  	[dreg:$0x4] =	wrdreg $0x0  }
0xb1: {  	[dreg:$0x5] =	wrdreg $0x9  }
0xb2: {  	_ =	task.clear_ibuf [dreg:s7], $0x6FFFF;
	_ =	strace $0x90000046  }
0xb3: {  	s29 =	simm.s32 $0x9;
	_ =	strace $0x80000048  }
0xb4: {  	_ =	swait.ge [sflag:s29], $0x1  }
0xb5: {  	[sflag:s29] =	ssyncadd.s32 $0xFFFFFFFF  }
0xb6: {  	_ =	strace $0x90000048  }
0xb7: {  	_ =	sfence  }
0xb8: {  	s30 =	sld [smem:$0x0];
	_ =	sdelay $0x2  }
0xb9: {  	s31 =	sshll.u32 s1, $0xD;
	s1 =	sshrl.u32 s1, $0x2  }
0xba: {  	s3 =	sand.u32 $0x4000, s31;
	s1 =	sadd.s32 s1, s30  }
0xbb: {  	s0 =	sor.u32 s3, s0;
	s1 =	sshll.u32 s1, $0x11  }
0xbc: {  	s0 =	sor.u32 s1, s0  }
0xbd: {  	s0 =	sadd.s32 $0x8F2B, s0  }
0xbe: {  	[sflag:s0] =	ssyncadd.remote.s32 $0x1  }
0xbf: {  	_ =	sfence.sel $0xFFFF  }
0xc0: {  	[dreg:$0x0] =	wrdreg $0xFFFFFFFF;
	(pc) =	sbr.abs _section_cstart, $3  }
0xc1: {  	[dreg:$0x1] =	wrdreg $0xFFFFFFFF  }
0xc2: {  	_ =	task.clear_ibuf [dreg:s7], $0x2FFFF;
	_ =	strace $0x9FFFFFFF  }
0xc3: {  	(tm) =	ssettm $0x7FFFFFFF  }
tec
execute0_lowered:
.L_overlay_start_1:
0x0: {  	(tag) =	ssettag $0x1  }
0x1: {  	s7 =	rddreg [dreg:$0x0]  }
0x2: {  	s6 =	rddreg [dreg:$0x1];
	s0 =	srdreg.scid  }
0x3: {  	s2 =	rddreg [dreg:$0x2];
	s1 =	stileid.u32  }
0x4: {  	s3 =	simm.s32 $0x0;
	s13 =	simm.s32 $0x14000;
	s14 =	simm.s32 $0x80  }
0x5: {  	s15 =	simm.s32 $0x1;
	s8 =	sand.u32 $0x1, s0;
	s0 =	rddreg [dreg:$0x3]  }
0x6: {  	s16 =	simm.s32 $0x0;
	s9 =	smul.u32 $0x14000, s1;
	[smem:$0x7FF] =	sst s3  }
0x7: {  	s4 =	sadd.s32 $0xC200, s6;
	s11 =	smul.u32 $0x50000, s1;
	s31 =	sshll.u32 s1, $0x6  }
0x8: {  	s5 =	smul.u32 $0x140000, s8;
	s10 =	sshll.u32 s8, $0x4;
	s8 =	ssub.s32 $0x2, s8  }
0x9: {  	_ =	strace $0x80000047;
	s10 =	sor.u32 s1, s10;
	s29 =	sshrl.u32 s8, $0x1  }
0xa: {  	s30 =	sshrl.u32 s11, $0x2;
	s9 =	sadd.s32 s9, s5;
	s5 =	sadd.s32 $0xEA00, s6  }
0xb: {  	s10 =	smul.u32 $0x500, s10;
	s12 =	ssub.s32 s8, s29;
	s9 =	sshrl.u32 s9, $0x3  }
0xc: {  	s11 =	sadd.s32 s30, s2;
	s9 =	sadd.s32 s9, s6;
	s6 =	sor.u32 $0x1C02, s31  }
0xd: {  	s7 =	sadd.s32 s7, s10;
	s10 =	sshrl.u32 s11, $0x3;
	s11 =	simm.s32 $0x2  }
0xe: {  	s8 =	sadd.s32 $0xF200, s9;
	s9 =	smax.u32 s12, $0x1;
	s12 =	simm.s32 $0x16800  }
.LBB2_1:
0xf: {  	[spmem:s10], [sflag:s6] =	dma.local [hbm:s4], $0x2800  }
0x10: {  	_ =	swait.ge [sflag:s11], $0x2800  }
0x11: {  	[sflag:s11] =	ssyncset.done $0x0  }
0x12: {  	[sflag:s11] =	ssyncadd.s32 $0xFFFFD800  }
0x13: {  	[tilespmem:s12], [sflag:$0x2] =	stream.linear.gather [hbm4b:s5+s3], $0x4000, $0x38;
	[tilespmem:$0x1A800] =	vst v63  }
0x14: {  	_ =	swait.ge [sflag:s11], $0x4000  }
0x15: {  	[sflag:s11] =	ssyncset.done $0x0  }
0x16: {  	[sflag:s11] =	ssyncadd.s32 $0xFFFFC000  }
0x17: {  	[tilespmem:s13], [sflag:$0x2] =	stream.linear.gather [hbm4b:s7+s3], $0x2800, $0x38;
	[tilespmem:$0x1A800] =	vst v63  }
0x18: {  	_ =	swait.ge [sflag:s11], $0x2800  }
0x19: {  	[sflag:s11] =	ssyncset.done $0x0  }
0x1a: {  	[sflag:s11] =	ssyncadd.s32 $0xFFFFD800  }
0x1b: {  	s17 =	simm.s32 $0x14000;
	[bflag:$0x0] =	sbarrier.arrive $0xFFFF  }
0x1c: {  	[spmem:s2] =	stream.indirect.scatter.add.f32 [tilespmem:s12], [sflag:$0x1], $0x80, s17, s14, $0xb8;
	[tilespmem:$0x1A800] =	vst v63  }
0x1d: {  	s31 =	simm.s32 $0x14080  }
0x1e: {  	[spmem:s2] =	stream.indirect.scatter.add.f32 [tilespmem:s12], [sflag:$0x1], $0x80, s31, s14, $0xb8;
	[tilespmem:$0x1A800] =	vst v63  }
0x1f: {  	_ =	swait.ge [sflag:s15], $0x4000  }
0x20: {  	[sflag:s15] =	ssyncset.done $0x0  }
0x21: {  	[sflag:s15] =	ssyncadd.s32 $0xFFFFC000  }
0x22: {  	_ =	swait.ge [sflag:s15], $0x4000  }
0x23: {  	s18 =	simm.s32 $0x800;
	s17 =	simm.s32 $0x100;
	[sflag:s15] =	ssyncset.done $0x0  }
.LBB2_2:
0x24: {  	s19 =	sadd.s32 $0x14000, s17  }
0x25: {  	[sflag:s15] =	ssyncadd.s32 $0xFFFFC000;
	s20 =	smov.u32 s18;
	s21 =	sadd.s32 $0x400, s18  }
0x26: {  	[spmem:s2] =	stream.indirect.scatter.add.f32 [tilespmem:s12], [sflag:$0x1], $0x80, s19, s14, $0xb8;
	[tilespmem:$0x1A800] =	vst v63  }
0x27: {  	p0 =	sne.s32 s18, $0x9C00;
	s17 =	sadd.s32 $0x14080, s17  }
0x28: {  	[spmem:s2] =	stream.indirect.scatter.add.f32 [tilespmem:s12], [sflag:$0x1], $0x80, s17, s14, $0xb8;
	[tilespmem:$0x1A800] =	vst v63  }
.Ltmp0:
0x29: {  	_ =	swait.ge [sflag:s15], $0x4000;
	(pc) =	sbr.rel @p0 .LBB2_2-.Ltmp0, $4  }
0x2a: {  	[sflag:s15] =	ssyncset.done $0x0  }
0x2b: {  	[sflag:s15] =	ssyncadd.s32 $0xFFFFC000  }
0x2c: {  	_ =	swait.ge [sflag:s15], $0x4000  }
0x2d: {  	s18 =	smov.u32 s21;
	s17 =	sshra.s32 s20, $0x2;
	[sflag:s15] =	ssyncset.done $0x0  }
0x2e: {  	s18 =	sadd.s32 $0x14000, s17;
	[sflag:s15] =	ssyncadd.s32 $0xFFFFC000  }
0x2f: {  	[spmem:s2] =	stream.indirect.scatter.add.f32 [tilespmem:s12], [sflag:$0x1], $0x80, s18, s14, $0xb8;
	[tilespmem:$0x1A800] =	vst v63  }
0x30: {  	s31 =	sadd.s32 $0x14080, s17  }
0x31: {  	[spmem:s2] =	stream.indirect.scatter.add.f32 [tilespmem:s12], [sflag:$0x1], $0x80, s31, s14, $0xb8;
	[tilespmem:$0x1A800] =	vst v63  }
0x32: {  	_ =	swait.ge [sflag:s15], $0x4000  }
0x33: {  	[sflag:s15] =	ssyncset.done $0x0  }
0x34: {  	[sflag:s15] =	ssyncadd.s32 $0xFFFFC000  }
0x35: {  	_ =	swait.ge [sflag:s15], $0x4000  }
0x36: {  	s16 =	sadd.s32 $0x1, s16;
	[sflag:s15] =	ssyncset.done $0x0  }
0x37: {  	p0 =	sne.s32 s16, s9;
	[sflag:s15] =	ssyncadd.s32 $0xFFFFC000  }
.Ltmp1:
0x38: {  	[bflag:$0x0] =	sbarrier.arrive $0xFFFF;
	(pc) =	sbr.rel @p0 .LBB2_1-.Ltmp1, $4  }
0x39: {  	[hbm:s8], [sflag:s6] =	dma.local [spmem:s10], $0x2800  }
0x3a: {  	_ =	swait.ge [sflag:s11], $0x2800  }
0x3b: {  	[sflag:s11] =	ssyncset.done $0x0  }
0x3c: {  	[sflag:s11] =	ssyncadd.s32 $0xFFFFD800  }
0x3d: {  	_ =	sfence.sel $0x180000  }
0x3e: {  	[bflag:$0x0] =	sbarrier.arrive $0xFFFF  }
0x3f: {  	p0 =	sne.s32 s1, $0x0;
	_ =	strace $0x90000047  }
0x40: {  	s0 =	sadd.s32 @!p0 $0x100000, s0;
	[bflag:$0x2] =	sbarrier.arrive $0xFFFF  }
0x41: {  	[sflag:s0] =	ssyncadd.tile.s32 @!p0 $0x1;
	_ =	shalt  }
.Lfunc_end2:
_tile_overlayer_lowered:
.L_overlay_start_2:
0x42: {  	(tag) =	ssettag $0x2  }
0x43: {  	s0 =	rddreg [dreg:$0x0];
	s2 =	stileid.u32  }
0x44: {  	s1 =	rddreg [dreg:$0x1];
	p0 =	sne.s32 s2, $0x0  }
0x45: {  	s3 =	rddreg [dreg:$0x2];
	[bflag:$0x3] =	sbarrier.arrive $0xFFFF;
	s2 =	simm.s32 @!p0 $0x1C02  }
0x46: {  	[timem:s3], [sflag:s2] =	dma.local @!p0 [hbm:s0], s1  }
0x47: {  	s0 =	simm.s32 @!p0 $0x2  }
0x48: {  	_ =	swait.ge @!p0 [sflag:s0], s1  }
0x49: {  	s1 =	ssub.s32 @!p0 $0x0, s1;
	[sflag:s0] =	ssyncset.done @!p0 $0x0  }
0x4a: {  	[sflag:s0] =	ssyncadd.s32 @!p0 s1  }
0x4b: {  	[bflag:$0x3] =	sbarrier.arrive $0xFFFF  }
0x4c: {  	_ =	shalt  }

</sc_bundles>
